<compile_context>
chip_gen: v7x
topology: tpu7x:2x2x1
jax: 0.10.2.dev20260603
libtpu: 0.0.44.dev20260713+nightly
codegen_flags: <defaults>
</compile_context>

<pallas_src>
import functools

import jax
import jax.numpy as jnp
from jax import lax
from jax.experimental import pallas as pl
from jax.experimental.pallas import tpu as pltpu
from jax.experimental.pallas import tpu_sc as plsc

N_NODES = 10000
N_EDGES = 320000
D = 128

NC = 2
NS = 16
NW = NC * NS

K = 64
STEPS = 160
UNROLL = 4
EW = STEPS * K
E_PAD = EW * NW
N_PAD = 10112
ROWS_PER_TILE = N_PAD // NS
XRPT = 624
XRPT_LAST = N_NODES - (NS - 1) * XRPT


@functools.partial(
    pl.kernel,
    out_type=jax.ShapeDtypeStruct((NW, EW, D), jnp.float32),
    mesh=plsc.VectorSubcoreMesh(core_axis_name="c", subcore_axis_name="s"),
    scratch_types=[
        pltpu.VMEM((EW,), jnp.int32),
        pltpu.VMEM((K, D), jnp.float32),
        pltpu.VMEM((K, D), jnp.float32),
        pltpu.VMEM((K, D), jnp.float32),
        pltpu.VMEM((K, D), jnp.float32),
        pltpu.VMEM_SHARED((N_NODES, D), jnp.float32),
        pltpu.SemaphoreType.DMA,
        pltpu.SemaphoreType.DMA,
        pltpu.SemaphoreType.DMA,
        pltpu.SemaphoreType.DMA,
        pltpu.SemaphoreType.DMA,
        pltpu.SemaphoreType.DMA,
        pltpu.SemaphoreType.DMA,
        pltpu.SemaphoreType.DMA,
    ],
)
def _sc_expand(src_hbm, x_hbm, msg_hbm,
               idx_s, r0, r1, r2, r3, xs,
               g0, g1, g2, g3, w0, w1, w2, w3):
    c = lax.axis_index("c")
    s = lax.axis_index("s")
    wid = c * NS + s

    rows = (r0, r1, r2, r3)
    gsem = (g0, g1, g2, g3)
    wsem = (w0, w1, w2, w3)

    pltpu.async_copy(src_hbm.at[wid], idx_s, g0)

    @pl.when(s < NS - 1)
    def _():
        pltpu.async_copy(x_hbm.at[pl.ds(s * XRPT, XRPT)],
                         xs.at[pl.ds(s * XRPT, XRPT)], g1)
        pltpu.make_async_copy(x_hbm.at[pl.ds(0, XRPT)],
                              xs.at[pl.ds(0, XRPT)], g1).wait()

    @pl.when(s == NS - 1)
    def _():
        pltpu.async_copy(x_hbm.at[pl.ds((NS - 1) * XRPT, XRPT_LAST)],
                         xs.at[pl.ds((NS - 1) * XRPT, XRPT_LAST)], g1)
        pltpu.make_async_copy(
            x_hbm.at[pl.ds(0, XRPT_LAST)],
            xs.at[pl.ds(0, XRPT_LAST)], g1).wait()
    pltpu.make_async_copy(src_hbm.at[wid], idx_s, g0).wait()
    plsc.subcore_barrier()

    def _gather(j, u):
        pltpu.async_copy(xs.at[idx_s.at[pl.ds(j * K, K)]], rows[u], gsem[u])

    def _write(j, u):
        pltpu.async_copy(rows[u], msg_hbm.at[wid, pl.ds(j * K, K)], wsem[u])

    def _wait_g(u):
        pltpu.make_async_copy(xs.at[idx_s.at[pl.ds(0, K)]], rows[u],
                              gsem[u]).wait()

    def _wait_w(u):
        pltpu.make_async_copy(rows[u], msg_hbm.at[wid, pl.ds(0, K)],
                              wsem[u]).wait()

    for u in range(UNROLL - 1):
        _gather(u, u)

    NIT = STEPS // UNROLL

    def _body(t, _):
        j0 = t * UNROLL
        for u in range(UNROLL):
            j = j0 + u
            _wait_g(u)
            if u == 0:
                @pl.when(t > 0)
                def _():
                    _wait_w(UNROLL - 1)
            else:
                _wait_w(u - 1)
            _write(j, u)

            @pl.when(j + UNROLL - 1 < STEPS)
            def _():
                _gather(j + UNROLL - 1, (u + UNROLL - 1) % UNROLL)
        return _

    lax.fori_loop(0, NIT, _body, None)
    _wait_w(UNROLL - 1)


@functools.partial(
    pl.kernel,
    out_type=jax.ShapeDtypeStruct((NC, N_PAD, D), jnp.float32),
    mesh=plsc.VectorSubcoreMesh(core_axis_name="c", subcore_axis_name="s"),
    scratch_types=[
        pltpu.VMEM((EW,), jnp.int32),
        pltpu.VMEM((K, D), jnp.float32),
        pltpu.VMEM((K, D), jnp.float32),
        pltpu.VMEM((K, D), jnp.float32),
        pltpu.VMEM((K, D), jnp.float32),
        pltpu.VMEM_SHARED((N_PAD, D), jnp.float32),
        pltpu.SemaphoreType.DMA,
        pltpu.SemaphoreType.DMA,
        pltpu.SemaphoreType.DMA,
        pltpu.SemaphoreType.DMA,
        pltpu.SemaphoreType.DMA,
        pltpu.SemaphoreType.DMA,
        pltpu.SemaphoreType.DMA,
        pltpu.SemaphoreType.DMA,
    ],
)
def _sc_reduce(dst_hbm, msg_hbm, out_hbm,
               idx_d, r0, r1, r2, r3, agg,
               g0, g1, g2, g3, s0, s1, s2, s3):
    c = lax.axis_index("c")
    s = lax.axis_index("s")
    wid = c * NS + s

    rows = (r0, r1, r2, r3)
    gsem = (g0, g1, g2, g3)
    ssem = (s0, s1, s2, s3)

    pltpu.async_copy(dst_hbm.at[wid], idx_d, g0)

    def _zfill(r, _):
        for j in range(D // 16):
            r0[r, pl.ds(j * 16, 16)] = jnp.zeros((16,), jnp.float32)
        return _
    lax.fori_loop(0, K, _zfill, None)
    n_full = ROWS_PER_TILE // K
    for b in range(n_full):
        pltpu.sync_copy(r0, agg.at[pl.ds(s * ROWS_PER_TILE + b * K, K)])
    rem = ROWS_PER_TILE - n_full * K
    if rem:
        pltpu.sync_copy(r0.at[pl.ds(0, rem)],
                        agg.at[pl.ds(s * ROWS_PER_TILE + n_full * K, rem)])
    pltpu.make_async_copy(dst_hbm.at[wid], idx_d, g0).wait()
    plsc.subcore_barrier()

    def _load(j, u):
        pltpu.async_copy(msg_hbm.at[wid, pl.ds(j * K, K)], rows[u], gsem[u])

    def _scatter(j, u):
        pltpu.async_copy(rows[u], agg.at[idx_d.at[pl.ds(j * K, K)]],
                         ssem[u], add=True)

    def _wait_l(u):
        pltpu.make_async_copy(msg_hbm.at[wid, pl.ds(0, K)], rows[u],
                              gsem[u]).wait()

    def _wait_s(u):
        pltpu.make_async_copy(rows[u], agg.at[idx_d.at[pl.ds(0, K)]],
                              ssem[u]).wait()

    for u in range(UNROLL - 1):
        _load(u, u)

    NIT = STEPS // UNROLL

    def _body(t, _):
        j0 = t * UNROLL
        for u in range(UNROLL):
            j = j0 + u
            _wait_l(u)
            if u == 0:
                @pl.when(t > 0)
                def _():
                    _wait_s(UNROLL - 1)
            else:
                _wait_s(u - 1)
            _scatter(j, u)

            @pl.when(j + UNROLL - 1 < STEPS)
            def _():
                _load(j + UNROLL - 1, (u + UNROLL - 1) % UNROLL)
        return _

    lax.fori_loop(0, NIT, _body, None)
    _wait_s(UNROLL - 1)
    plsc.subcore_barrier()

    pltpu.sync_copy(agg.at[pl.ds(s * ROWS_PER_TILE, ROWS_PER_TILE)],
                    out_hbm.at[c, pl.ds(s * ROWS_PER_TILE, ROWS_PER_TILE)])


ROWS_BLK = 2000


def _tc_dense_kernel(agg_ref, x_ref, wrel_ref, wroot_ref, b_ref, out_ref):
    a = agg_ref[0] + agg_ref[1]
    acc = jnp.dot(a, wrel_ref[...], preferred_element_type=jnp.float32)
    acc += jnp.dot(x_ref[...], wroot_ref[...], preferred_element_type=jnp.float32)
    out_ref[...] = jnp.maximum(acc + b_ref[...], 0.0)


def _tc_dense(agg2, x, wrel_t, wroot_t, b2d):
    grid = (N_NODES // ROWS_BLK,)
    return pl.pallas_call(
        _tc_dense_kernel,
        grid=grid,
        in_specs=[
            pl.BlockSpec((NC, ROWS_BLK, D), lambda i: (0, i, 0)),
            pl.BlockSpec((ROWS_BLK, D), lambda i: (i, 0)),
            pl.BlockSpec((D, D), lambda i: (0, 0)),
            pl.BlockSpec((D, D), lambda i: (0, 0)),
            pl.BlockSpec((1, D), lambda i: (0, 0)),
        ],
        out_specs=pl.BlockSpec((ROWS_BLK, D), lambda i: (i, 0)),
        out_shape=jax.ShapeDtypeStruct((N_NODES, D), jnp.float32),
    )(agg2, x, wrel_t, wroot_t, b2d)


def kernel(x, edge_index, W_rel, b_rel, W_root):
    ei = edge_index.astype(jnp.int32)
    pad = E_PAD - N_EDGES
    src = jnp.concatenate([ei[0], jnp.zeros((pad,), jnp.int32)])
    pad_dst = N_NODES + (jnp.arange(pad, dtype=jnp.int32) % (N_PAD - N_NODES))
    dst = jnp.concatenate([ei[1], pad_dst])
    src = src.reshape(NW, EW)
    dst = dst.reshape(NW, EW)
    msgs = _sc_expand(src, x)
    agg2 = _sc_reduce(dst, msgs)
    return _tc_dense(agg2, x, W_rel.T, W_root.T, b_rel[None, :])

# --- scband reference (transcript-rebuilt; emitter-appended) ---
"""Pipeline reference for scband-gcn-86973087744670 (READ-ONLY COPY).

The authoritative reference and input builder live on the scoring server;
editing this copy changes nothing except your own understanding.
"""

import jax, jax.numpy as jnp
import numpy as np

N_NODES = 10000
N_EDGES = 320000
D_IN = 128
D_OUT = 128


def setup_inputs(seed: int = 0) -> dict:
    key = jax.random.key(seed)
    k1, k2, k3, k4, k5 = jax.random.split(key, 5)
    x = jax.random.normal(k1, (N_NODES, D_IN), dtype=jnp.float32)
    edge_index = jax.random.randint(k2, (2, N_EDGES), 0, N_NODES, dtype=jnp.int64)
    # GraphConv params (PyG GraphConv: lin_rel with bias, lin_root without bias)
    scale = 1.0 / np.sqrt(D_IN)
    W_rel = jax.random.uniform(k3, (D_OUT, D_IN), minval=-scale, maxval=scale, dtype=jnp.float32)
    b_rel = jax.random.uniform(k4, (D_OUT,), minval=-scale, maxval=scale, dtype=jnp.float32)
    W_root = jax.random.uniform(k5, (D_OUT, D_IN), minval=-scale, maxval=scale, dtype=jnp.float32)
    return {"x": x, "edge_index": edge_index, "W_rel": W_rel, "b_rel": b_rel, "W_root": W_root}


def reference(x, edge_index, W_rel, b_rel, W_root):
    # PyG GraphConv (aggr='add'): out_i = W_rel * sum_{j in N(i)} x_j + b_rel + W_root * x_i
    src = edge_index[0]
    dst = edge_index[1]
    messages = jnp.take(x, src, axis=0)                  # gather  [E, D_IN]
    agg = jax.ops.segment_sum(messages, dst, num_segments=x.shape[0])  # scatter-add [N, D_IN]
    out = agg @ W_rel.T + b_rel + x @ W_root.T
    return jax.nn.relu(out)

if __name__ == "__main__":
    import jax
    _d = setup_inputs()
    print(jax.jit(kernel)(*tuple(_d.values())))

</pallas_src>

<mosaic_0001>
#map = affine_map<(d0, d1) -> (0, 0)>
#map1 = affine_map<(d0, d1) -> (0, 0, 0)>
module attributes {stable_mosaic.version = 14 : i64} {
  func.func @_sc_expand(%arg0: i32, %arg1: i32, %arg2: memref<32x10240xi32, #tpu.memory_space<hbm>>, %arg3: memref<10000x128xf32, #tpu.memory_space<hbm>>, %arg4: memref<32x10240x128xf32, #tpu.memory_space<hbm>>, %arg5: memref<10240xi32, #tpu.memory_space<vmem>>, %arg6: memref<64x128xf32, #tpu.memory_space<vmem>>, %arg7: memref<64x128xf32, #tpu.memory_space<vmem>>, %arg8: memref<64x128xf32, #tpu.memory_space<vmem>>, %arg9: memref<64x128xf32, #tpu.memory_space<vmem>>, %arg10: memref<10000x128xf32, #tpu.memory_space<vmem_shared>>, %arg11: memref<!tpu.dma_semaphore, #tpu.memory_space<semaphore_mem>>, %arg12: memref<!tpu.dma_semaphore, #tpu.memory_space<semaphore_mem>>, %arg13: memref<!tpu.dma_semaphore, #tpu.memory_space<semaphore_mem>>, %arg14: memref<!tpu.dma_semaphore, #tpu.memory_space<semaphore_mem>>, %arg15: memref<!tpu.dma_semaphore, #tpu.memory_space<semaphore_mem>>, %arg16: memref<!tpu.dma_semaphore, #tpu.memory_space<semaphore_mem>>, %arg17: memref<!tpu.dma_semaphore, #tpu.memory_space<semaphore_mem>>, %arg18: memref<!tpu.dma_semaphore, #tpu.memory_space<semaphore_mem>>) attributes {dimension_semantics = [#tpu.dimension_semantics<core_parallel>, #tpu.dimension_semantics<subcore_parallel>], iteration_bounds = array<i64: 2, 16>, scalar_prefetch = 0 : i64, scratch_operands = 14 : i64, tpu.core_type = #tpu.core_type<sc_vector_subcore>, window_params = [{transform_indices = #map}, {transform_indices = #map}, {transform_indices = #map1}]} {
    %mul3A = arith.constant 16 : i32
    %mul3A_0 = arith.muli %arg0, %mul3A : i32
    %add3A = arith.addi %mul3A_0, %arg1 : i32
    %dma_start3A = arith.constant 0 : i32
    %dma_start3A_1 = tpu.memref_slice %arg2[%add3A, %dma_start3A] : memref<32x10240xi32, #tpu.memory_space<hbm>> -> memref<1x10240xi32, #tpu.memory_space<hbm>>
    %dma_start3A_2 = tpu.memref_squeeze %dma_start3A_1 : memref<1x10240xi32, #tpu.memory_space<hbm>> -> memref<10240xi32, #tpu.memory_space<hbm>>
    %dma_start3A_3 = arith.constant 0 : i32
    %dma_start3A_4 = tpu.memref_slice %arg2[%add3A, %dma_start3A_3] : memref<32x10240xi32, #tpu.memory_space<hbm>> -> memref<1x10240xi32, #tpu.memory_space<hbm>>
    %dma_start3A_5 = tpu.memref_squeeze %dma_start3A_4 : memref<1x10240xi32, #tpu.memory_space<hbm>> -> memref<10240xi32, #tpu.memory_space<hbm>>
    tpu.enqueue_dma source(%dma_start3A_5 : memref<10240xi32, #tpu.memory_space<hbm>>) target(%arg5 : memref<10240xi32, #tpu.memory_space<vmem>>) target_semaphore(%arg11 : memref<!tpu.dma_semaphore, #tpu.memory_space<semaphore_mem>>)
    %lt3A = arith.constant 15 : i32
    %lt3A_6 = arith.cmpi slt, %arg1, %lt3A : i32
    %convert_element_type3A = arith.extui %lt3A_6 : i1 to i32
    %cond3A = arith.constant 0 : i32
    %cond3A_7 = arith.cmpi ne, %convert_element_type3A, %cond3A : i32
    scf.if %cond3A_7 {
      %mul3A_44 = arith.constant 624 : i32
      %mul3A_45 = arith.muli %arg1, %mul3A_44 : i32
      %mul3A_46 = arith.constant 624 : i32
      %mul3A_47 = arith.muli %arg1, %mul3A_46 : i32
      %dma_start3A_48 = arith.constant 0 : i32
      %dma_start3A_49 = tpu.memref_slice %arg10[%mul3A_47, %dma_start3A_48] : memref<10000x128xf32, #tpu.memory_space<vmem_shared>> -> memref<624x128xf32, #tpu.memory_space<vmem_shared>>
      %dma_start3A_50 = arith.constant 0 : i32
      %dma_start3A_51 = tpu.memref_slice %arg3[%mul3A_45, %dma_start3A_50] : memref<10000x128xf32, #tpu.memory_space<hbm>> -> memref<624x128xf32, #tpu.memory_space<hbm>>
      tpu.enqueue_dma source(%dma_start3A_51 : memref<624x128xf32, #tpu.memory_space<hbm>>) target(%dma_start3A_49 : memref<624x128xf32, #tpu.memory_space<vmem_shared>>) target_semaphore(%arg12 : memref<!tpu.dma_semaphore, #tpu.memory_space<semaphore_mem>>)
      %dma_wait3A_52 = arith.constant 0 : i32
      %dma_wait3A_53 = arith.constant 0 : i32
      %dma_wait3A_54 = tpu.memref_slice %arg10[%dma_wait3A_52, %dma_wait3A_53] : memref<10000x128xf32, #tpu.memory_space<vmem_shared>> -> memref<624x128xf32, #tpu.memory_space<vmem_shared>>
      %dma_wait3A_55 = arith.constant 0 : i32
      %dma_wait3A_56 = arith.constant 0 : i32
      %dma_wait3A_57 = tpu.memref_slice %arg3[%dma_wait3A_55, %dma_wait3A_56] : memref<10000x128xf32, #tpu.memory_space<hbm>> -> memref<624x128xf32, #tpu.memory_space<hbm>>
      tpu.wait_dma2 semaphore(%arg12 : memref<!tpu.dma_semaphore, #tpu.memory_space<semaphore_mem>>) src(%dma_wait3A_57 : memref<624x128xf32, #tpu.memory_space<hbm>>) dst(%dma_wait3A_54 : memref<624x128xf32, #tpu.memory_space<vmem_shared>>)
    } else {
    }
    %eq3A = arith.constant 15 : i32
    %eq3A_8 = arith.cmpi eq, %arg1, %eq3A : i32
    %convert_element_type3A_9 = arith.extui %eq3A_8 : i1 to i32
    %cond3A_10 = arith.constant 0 : i32
    %cond3A_11 = arith.cmpi ne, %convert_element_type3A_9, %cond3A_10 : i32
    scf.if %cond3A_11 {
      %dma_start3A_44 = arith.constant 9360 : i32
      %dma_start3A_45 = arith.constant 0 : i32
      %dma_start3A_46 = tpu.memref_slice %arg10[%dma_start3A_44, %dma_start3A_45] : memref<10000x128xf32, #tpu.memory_space<vmem_shared>> -> memref<640x128xf32, #tpu.memory_space<vmem_shared>>
      %dma_start3A_47 = arith.constant 9360 : i32
      %dma_start3A_48 = arith.constant 0 : i32
      %dma_start3A_49 = tpu.memref_slice %arg3[%dma_start3A_47, %dma_start3A_48] : memref<10000x128xf32, #tpu.memory_space<hbm>> -> memref<640x128xf32, #tpu.memory_space<hbm>>
      tpu.enqueue_dma source(%dma_start3A_49 : memref<640x128xf32, #tpu.memory_space<hbm>>) target(%dma_start3A_46 : memref<640x128xf32, #tpu.memory_space<vmem_shared>>) target_semaphore(%arg12 : memref<!tpu.dma_semaphore, #tpu.memory_space<semaphore_mem>>)
      %dma_wait3A_50 = arith.constant 0 : i32
      %dma_wait3A_51 = arith.constant 0 : i32
      %dma_wait3A_52 = tpu.memref_slice %arg10[%dma_wait3A_50, %dma_wait3A_51] : memref<10000x128xf32, #tpu.memory_space<vmem_shared>> -> memref<640x128xf32, #tpu.memory_space<vmem_shared>>
      %dma_wait3A_53 = arith.constant 0 : i32
      %dma_wait3A_54 = arith.constant 0 : i32
      %dma_wait3A_55 = tpu.memref_slice %arg3[%dma_wait3A_53, %dma_wait3A_54] : memref<10000x128xf32, #tpu.memory_space<hbm>> -> memref<640x128xf32, #tpu.memory_space<hbm>>
      tpu.wait_dma2 semaphore(%arg12 : memref<!tpu.dma_semaphore, #tpu.memory_space<semaphore_mem>>) src(%dma_wait3A_55 : memref<640x128xf32, #tpu.memory_space<hbm>>) dst(%dma_wait3A_52 : memref<640x128xf32, #tpu.memory_space<vmem_shared>>)
    } else {
    }
    %dma_wait3A = arith.constant 0 : i32
    %dma_wait3A_12 = tpu.memref_slice %arg2[%add3A, %dma_wait3A] : memref<32x10240xi32, #tpu.memory_space<hbm>> -> memref<1x10240xi32, #tpu.memory_space<hbm>>
    %dma_wait3A_13 = tpu.memref_squeeze %dma_wait3A_12 : memref<1x10240xi32, #tpu.memory_space<hbm>> -> memref<10240xi32, #tpu.memory_space<hbm>>
    %dma_wait3A_14 = arith.constant 0 : i32
    %dma_wait3A_15 = tpu.memref_slice %arg2[%add3A, %dma_wait3A_14] : memref<32x10240xi32, #tpu.memory_space<hbm>> -> memref<1x10240xi32, #tpu.memory_space<hbm>>
    %dma_wait3A_16 = tpu.memref_squeeze %dma_wait3A_15 : memref<1x10240xi32, #tpu.memory_space<hbm>> -> memref<10240xi32, #tpu.memory_space<hbm>>
    tpu.wait_dma2 semaphore(%arg11 : memref<!tpu.dma_semaphore, #tpu.memory_space<semaphore_mem>>) src(%dma_wait3A_16 : memref<10240xi32, #tpu.memory_space<hbm>>) dst(%arg5 : memref<10240xi32, #tpu.memory_space<vmem>>)
    %barrier3A = arith.constant 0 : index
    tpu.barrier barrier_id(%barrier3A)
    %dma_start3A_17 = arith.constant 0 : i32
    %dma_start3A_18 = tpu.memref_slice %arg5[%dma_start3A_17] : memref<10240xi32, #tpu.memory_space<vmem>> -> memref<64xi32, #tpu.memory_space<vmem>>
    %dma_start3A_19 = arith.constant 0 : i32
    %dma_start3A_20 = arith.constant 0 : i32
    %dma_start3A_21 = tpu.memref_slice %arg10[%dma_start3A_19, %dma_start3A_20] : memref<10000x128xf32, #tpu.memory_space<vmem_shared>> -> memref<10000x128xf32, #tpu.memory_space<vmem_shared>>
    tpu.enqueue_indirect_dma source(%dma_start3A_21 : memref<10000x128xf32, #tpu.memory_space<vmem_shared>>) target(%arg6 : memref<64x128xf32, #tpu.memory_space<vmem>>) offsets(%dma_start3A_18 : memref<64xi32, #tpu.memory_space<vmem>>) semaphore(%arg11 : memref<!tpu.dma_semaphore, #tpu.memory_space<semaphore_mem>>)
    %dma_start3A_22 = arith.constant 64 : i32
    %dma_start3A_23 = tpu.memref_slice %arg5[%dma_start3A_22] : memref<10240xi32, #tpu.memory_space<vmem>> -> memref<64xi32, #tpu.memory_space<vmem>>
    %dma_start3A_24 = arith.constant 0 : i32
    %dma_start3A_25 = arith.constant 0 : i32
    %dma_start3A_26 = tpu.memref_slice %arg10[%dma_start3A_24, %dma_start3A_25] : memref<10000x128xf32, #tpu.memory_space<vmem_shared>> -> memref<10000x128xf32, #tpu.memory_space<vmem_shared>>
    tpu.enqueue_indirect_dma source(%dma_start3A_26 : memref<10000x128xf32, #tpu.memory_space<vmem_shared>>) target(%arg7 : memref<64x128xf32, #tpu.memory_space<vmem>>) offsets(%dma_start3A_23 : memref<64xi32, #tpu.memory_space<vmem>>) semaphore(%arg12 : memref<!tpu.dma_semaphore, #tpu.memory_space<semaphore_mem>>)
    %dma_start3A_27 = arith.constant 128 : i32
    %dma_start3A_28 = tpu.memref_slice %arg5[%dma_start3A_27] : memref<10240xi32, #tpu.memory_space<vmem>> -> memref<64xi32, #tpu.memory_space<vmem>>
    %dma_start3A_29 = arith.constant 0 : i32
    %dma_start3A_30 = arith.constant 0 : i32
    %dma_start3A_31 = tpu.memref_slice %arg10[%dma_start3A_29, %dma_start3A_30] : memref<10000x128xf32, #tpu.memory_space<vmem_shared>> -> memref<10000x128xf32, #tpu.memory_space<vmem_shared>>
    tpu.enqueue_indirect_dma source(%dma_start3A_31 : memref<10000x128xf32, #tpu.memory_space<vmem_shared>>) target(%arg8 : memref<64x128xf32, #tpu.memory_space<vmem>>) offsets(%dma_start3A_28 : memref<64xi32, #tpu.memory_space<vmem>>) semaphore(%arg13 : memref<!tpu.dma_semaphore, #tpu.memory_space<semaphore_mem>>)
    %scan3A = arith.constant 0 : i32
    %scan3A_32 = arith.constant 40 : i32
    %scan3A_33 = arith.addi %scan3A, %scan3A_32 : i32
    %scan3A_34 = arith.constant 1 : i32
    scf.for %scan3A_44 = %scan3A to %scan3A_33 step %scan3A_34  : i32 {
      %mul3A_45 = arith.constant 4 : i32
      %mul3A_46 = arith.muli %scan3A_44, %mul3A_45 : i32
      %add3A_47 = arith.constant 0 : i32
      %add3A_48 = arith.addi %mul3A_46, %add3A_47 : i32
      %dma_wait3A_49 = arith.constant 0 : i32
      %dma_wait3A_50 = tpu.memref_slice %arg5[%dma_wait3A_49] : memref<10240xi32, #tpu.memory_space<vmem>> -> memref<64xi32, #tpu.memory_space<vmem>>
      %dma_wait3A_51 = arith.constant 0 : i32
      %dma_wait3A_52 = arith.constant 0 : i32
      %dma_wait3A_53 = tpu.memref_slice %arg10[%dma_wait3A_51, %dma_wait3A_52] : memref<10000x128xf32, #tpu.memory_space<vmem_shared>> -> memref<10000x128xf32, #tpu.memory_space<vmem_shared>>
      tpu.wait_indirect_dma semaphore(%arg11 : memref<!tpu.dma_semaphore, #tpu.memory_space<semaphore_mem>>) src(%dma_wait3A_53 : memref<10000x128xf32, #tpu.memory_space<vmem_shared>>) dst(%arg6 : memref<64x128xf32, #tpu.memory_space<vmem>>)
      %gt3A = arith.constant 0 : i32
      %gt3A_54 = arith.cmpi sgt, %scan3A_44, %gt3A : i32
      %convert_element_type3A_55 = arith.extui %gt3A_54 : i1 to i32
      %cond3A_56 = arith.constant 0 : i32
      %cond3A_57 = arith.cmpi ne, %convert_element_type3A_55, %cond3A_56 : i32
      scf.if %cond3A_57 {
        %dma_wait3A_170 = arith.constant 0 : i32
        %dma_wait3A_171 = arith.constant 0 : i32
        %dma_wait3A_172 = tpu.memref_slice %arg4[%add3A, %dma_wait3A_170, %dma_wait3A_171] : memref<32x10240x128xf32, #tpu.memory_space<hbm>> -> memref<1x64x128xf32, #tpu.memory_space<hbm>>
        %dma_wait3A_173 = tpu.memref_squeeze %dma_wait3A_172 : memref<1x64x128xf32, #tpu.memory_space<hbm>> -> memref<64x128xf32, #tpu.memory_space<hbm>>
        %dma_wait3A_174 = arith.constant 0 : i32
        %dma_wait3A_175 = arith.constant 0 : i32
        %dma_wait3A_176 = tpu.memref_slice %arg4[%add3A, %dma_wait3A_174, %dma_wait3A_175] : memref<32x10240x128xf32, #tpu.memory_space<hbm>> -> memref<1x64x128xf32, #tpu.memory_space<hbm>>
        %dma_wait3A_177 = tpu.memref_squeeze %dma_wait3A_176 : memref<1x64x128xf32, #tpu.memory_space<hbm>> -> memref<64x128xf32, #tpu.memory_space<hbm>>
        tpu.wait_dma2 semaphore(%arg18 : memref<!tpu.dma_semaphore, #tpu.memory_space<semaphore_mem>>) src(%arg9 : memref<64x128xf32, #tpu.memory_space<vmem>>) dst(%dma_wait3A_177 : memref<64x128xf32, #tpu.memory_space<hbm>>)
      } else {
      }
      %mul3A_58 = arith.constant 64 : i32
      %mul3A_59 = arith.muli %add3A_48, %mul3A_58 : i32
      %dma_start3A_60 = arith.constant 0 : i32
      %dma_start3A_61 = tpu.memref_slice %arg4[%add3A, %mul3A_59, %dma_start3A_60] : memref<32x10240x128xf32, #tpu.memory_space<hbm>> -> memref<1x64x128xf32, #tpu.memory_space<hbm>>
      %dma_start3A_62 = tpu.memref_squeeze %dma_start3A_61 : memref<1x64x128xf32, #tpu.memory_space<hbm>> -> memref<64x128xf32, #tpu.memory_space<hbm>>
      %dma_start3A_63 = arith.constant 0 : i32
      %dma_start3A_64 = tpu.memref_slice %arg4[%add3A, %mul3A_59, %dma_start3A_63] : memref<32x10240x128xf32, #tpu.memory_space<hbm>> -> memref<1x64x128xf32, #tpu.memory_space<hbm>>
      %dma_start3A_65 = tpu.memref_squeeze %dma_start3A_64 : memref<1x64x128xf32, #tpu.memory_space<hbm>> -> memref<64x128xf32, #tpu.memory_space<hbm>>
      tpu.enqueue_dma source(%arg6 : memref<64x128xf32, #tpu.memory_space<vmem>>) target(%dma_start3A_65 : memref<64x128xf32, #tpu.memory_space<hbm>>) target_semaphore(%arg15 : memref<!tpu.dma_semaphore, #tpu.memory_space<semaphore_mem>>)
      %add3A_66 = arith.constant 4 : i32
      %add3A_67 = arith.addi %add3A_48, %add3A_66 : i32
      %sub3A = arith.constant 1 : i32
      %sub3A_68 = arith.subi %add3A_67, %sub3A : i32
      %lt3A_69 = arith.constant 160 : i32
      %lt3A_70 = arith.cmpi slt, %sub3A_68, %lt3A_69 : i32
      %convert_element_type3A_71 = arith.extui %lt3A_70 : i1 to i32
      %cond3A_72 = arith.constant 0 : i32
      %cond3A_73 = arith.cmpi ne, %convert_element_type3A_71, %cond3A_72 : i32
      scf.if %cond3A_73 {
        %add3A_170 = arith.constant 4 : i32
        %add3A_171 = arith.addi %add3A_48, %add3A_170 : i32
        %sub3A_172 = arith.constant 1 : i32
        %sub3A_173 = arith.subi %add3A_171, %sub3A_172 : i32
        %mul3A_174 = arith.constant 64 : i32
        %mul3A_175 = arith.muli %sub3A_173, %mul3A_174 : i32
        %dma_start3A_176 = tpu.memref_slice %arg5[%mul3A_175] : memref<10240xi32, #tpu.memory_space<vmem>> -> memref<64xi32, #tpu.memory_space<vmem>>
        %dma_start3A_177 = arith.constant 0 : i32
        %dma_start3A_178 = arith.constant 0 : i32
        %dma_start3A_179 = tpu.memref_slice %arg10[%dma_start3A_177, %dma_start3A_178] : memref<10000x128xf32, #tpu.memory_space<vmem_shared>> -> memref<10000x128xf32, #tpu.memory_space<vmem_shared>>
        tpu.enqueue_indirect_dma source(%dma_start3A_179 : memref<10000x128xf32, #tpu.memory_space<vmem_shared>>) target(%arg9 : memref<64x128xf32, #tpu.memory_space<vmem>>) offsets(%dma_start3A_176 : memref<64xi32, #tpu.memory_space<vmem>>) semaphore(%arg14 : memref<!tpu.dma_semaphore, #tpu.memory_space<semaphore_mem>>)
      } else {
      }
      %add3A_74 = arith.constant 1 : i32
      %add3A_75 = arith.addi %mul3A_46, %add3A_74 : i32
      %dma_wait3A_76 = arith.constant 0 : i32
      %dma_wait3A_77 = tpu.memref_slice %arg5[%dma_wait3A_76] : memref<10240xi32, #tpu.memory_space<vmem>> -> memref<64xi32, #tpu.memory_space<vmem>>
      %dma_wait3A_78 = arith.constant 0 : i32
      %dma_wait3A_79 = arith.constant 0 : i32
      %dma_wait3A_80 = tpu.memref_slice %arg10[%dma_wait3A_78, %dma_wait3A_79] : memref<10000x128xf32, #tpu.memory_space<vmem_shared>> -> memref<10000x128xf32, #tpu.memory_space<vmem_shared>>
      tpu.wait_indirect_dma semaphore(%arg12 : memref<!tpu.dma_semaphore, #tpu.memory_space<semaphore_mem>>) src(%dma_wait3A_80 : memref<10000x128xf32, #tpu.memory_space<vmem_shared>>) dst(%arg7 : memref<64x128xf32, #tpu.memory_space<vmem>>)
      %dma_wait3A_81 = arith.constant 0 : i32
      %dma_wait3A_82 = arith.constant 0 : i32
      %dma_wait3A_83 = tpu.memref_slice %arg4[%add3A, %dma_wait3A_81, %dma_wait3A_82] : memref<32x10240x128xf32, #tpu.memory_space<hbm>> -> memref<1x64x128xf32, #tpu.memory_space<hbm>>
      %dma_wait3A_84 = tpu.memref_squeeze %dma_wait3A_83 : memref<1x64x128xf32, #tpu.memory_space<hbm>> -> memref<64x128xf32, #tpu.memory_space<hbm>>
      %dma_wait3A_85 = arith.constant 0 : i32
      %dma_wait3A_86 = arith.constant 0 : i32
      %dma_wait3A_87 = tpu.memref_slice %arg4[%add3A, %dma_wait3A_85, %dma_wait3A_86] : memref<32x10240x128xf32, #tpu.memory_space<hbm>> -> memref<1x64x128xf32, #tpu.memory_space<hbm>>
      %dma_wait3A_88 = tpu.memref_squeeze %dma_wait3A_87 : memref<1x64x128xf32, #tpu.memory_space<hbm>> -> memref<64x128xf32, #tpu.memory_space<hbm>>
      tpu.wait_dma2 semaphore(%arg15 : memref<!tpu.dma_semaphore, #tpu.memory_space<semaphore_mem>>) src(%arg6 : memref<64x128xf32, #tpu.memory_space<vmem>>) dst(%dma_wait3A_88 : memref<64x128xf32, #tpu.memory_space<hbm>>)
      %mul3A_89 = arith.constant 64 : i32
      %mul3A_90 = arith.muli %add3A_75, %mul3A_89 : i32
      %dma_start3A_91 = arith.constant 0 : i32
      %dma_start3A_92 = tpu.memref_slice %arg4[%add3A, %mul3A_90, %dma_start3A_91] : memref<32x10240x128xf32, #tpu.memory_space<hbm>> -> memref<1x64x128xf32, #tpu.memory_space<hbm>>
      %dma_start3A_93 = tpu.memref_squeeze %dma_start3A_92 : memref<1x64x128xf32, #tpu.memory_space<hbm>> -> memref<64x128xf32, #tpu.memory_space<hbm>>
      %dma_start3A_94 = arith.constant 0 : i32
      %dma_start3A_95 = tpu.memref_slice %arg4[%add3A, %mul3A_90, %dma_start3A_94] : memref<32x10240x128xf32, #tpu.memory_space<hbm>> -> memref<1x64x128xf32, #tpu.memory_space<hbm>>
      %dma_start3A_96 = tpu.memref_squeeze %dma_start3A_95 : memref<1x64x128xf32, #tpu.memory_space<hbm>> -> memref<64x128xf32, #tpu.memory_space<hbm>>
      tpu.enqueue_dma source(%arg7 : memref<64x128xf32, #tpu.memory_space<vmem>>) target(%dma_start3A_96 : memref<64x128xf32, #tpu.memory_space<hbm>>) target_semaphore(%arg16 : memref<!tpu.dma_semaphore, #tpu.memory_space<semaphore_mem>>)
      %add3A_97 = arith.constant 4 : i32
      %add3A_98 = arith.addi %add3A_75, %add3A_97 : i32
      %sub3A_99 = arith.constant 1 : i32
      %sub3A_100 = arith.subi %add3A_98, %sub3A_99 : i32
      %lt3A_101 = arith.constant 160 : i32
      %lt3A_102 = arith.cmpi slt, %sub3A_100, %lt3A_101 : i32
      %convert_element_type3A_103 = arith.extui %lt3A_102 : i1 to i32
      %cond3A_104 = arith.constant 0 : i32
      %cond3A_105 = arith.cmpi ne, %convert_element_type3A_103, %cond3A_104 : i32
      scf.if %cond3A_105 {
        %add3A_170 = arith.constant 4 : i32
        %add3A_171 = arith.addi %add3A_75, %add3A_170 : i32
        %sub3A_172 = arith.constant 1 : i32
        %sub3A_173 = arith.subi %add3A_171, %sub3A_172 : i32
        %mul3A_174 = arith.constant 64 : i32
        %mul3A_175 = arith.muli %sub3A_173, %mul3A_174 : i32
        %dma_start3A_176 = tpu.memref_slice %arg5[%mul3A_175] : memref<10240xi32, #tpu.memory_space<vmem>> -> memref<64xi32, #tpu.memory_space<vmem>>
        %dma_start3A_177 = arith.constant 0 : i32
        %dma_start3A_178 = arith.constant 0 : i32
        %dma_start3A_179 = tpu.memref_slice %arg10[%dma_start3A_177, %dma_start3A_178] : memref<10000x128xf32, #tpu.memory_space<vmem_shared>> -> memref<10000x128xf32, #tpu.memory_space<vmem_shared>>
        tpu.enqueue_indirect_dma source(%dma_start3A_179 : memref<10000x128xf32, #tpu.memory_space<vmem_shared>>) target(%arg6 : memref<64x128xf32, #tpu.memory_space<vmem>>) offsets(%dma_start3A_176 : memref<64xi32, #tpu.memory_space<vmem>>) semaphore(%arg11 : memref<!tpu.dma_semaphore, #tpu.memory_space<semaphore_mem>>)
      } else {
      }
      %add3A_106 = arith.constant 2 : i32
      %add3A_107 = arith.addi %mul3A_46, %add3A_106 : i32
      %dma_wait3A_108 = arith.constant 0 : i32
      %dma_wait3A_109 = tpu.memref_slice %arg5[%dma_wait3A_108] : memref<10240xi32, #tpu.memory_space<vmem>> -> memref<64xi32, #tpu.memory_space<vmem>>
      %dma_wait3A_110 = arith.constant 0 : i32
      %dma_wait3A_111 = arith.constant 0 : i32
      %dma_wait3A_112 = tpu.memref_slice %arg10[%dma_wait3A_110, %dma_wait3A_111] : memref<10000x128xf32, #tpu.memory_space<vmem_shared>> -> memref<10000x128xf32, #tpu.memory_space<vmem_shared>>
      tpu.wait_indirect_dma semaphore(%arg13 : memref<!tpu.dma_semaphore, #tpu.memory_space<semaphore_mem>>) src(%dma_wait3A_112 : memref<10000x128xf32, #tpu.memory_space<vmem_shared>>) dst(%arg8 : memref<64x128xf32, #tpu.memory_space<vmem>>)
      %dma_wait3A_113 = arith.constant 0 : i32
      %dma_wait3A_114 = arith.constant 0 : i32
      %dma_wait3A_115 = tpu.memref_slice %arg4[%add3A, %dma_wait3A_113, %dma_wait3A_114] : memref<32x10240x128xf32, #tpu.memory_space<hbm>> -> memref<1x64x128xf32, #tpu.memory_space<hbm>>
      %dma_wait3A_116 = tpu.memref_squeeze %dma_wait3A_115 : memref<1x64x128xf32, #tpu.memory_space<hbm>> -> memref<64x128xf32, #tpu.memory_space<hbm>>
      %dma_wait3A_117 = arith.constant 0 : i32
      %dma_wait3A_118 = arith.constant 0 : i32
      %dma_wait3A_119 = tpu.memref_slice %arg4[%add3A, %dma_wait3A_117, %dma_wait3A_118] : memref<32x10240x128xf32, #tpu.memory_space<hbm>> -> memref<1x64x128xf32, #tpu.memory_space<hbm>>
      %dma_wait3A_120 = tpu.memref_squeeze %dma_wait3A_119 : memref<1x64x128xf32, #tpu.memory_space<hbm>> -> memref<64x128xf32, #tpu.memory_space<hbm>>
      tpu.wait_dma2 semaphore(%arg16 : memref<!tpu.dma_semaphore, #tpu.memory_space<semaphore_mem>>) src(%arg7 : memref<64x128xf32, #tpu.memory_space<vmem>>) dst(%dma_wait3A_120 : memref<64x128xf32, #tpu.memory_space<hbm>>)
      %mul3A_121 = arith.constant 64 : i32
      %mul3A_122 = arith.muli %add3A_107, %mul3A_121 : i32
      %dma_start3A_123 = arith.constant 0 : i32
      %dma_start3A_124 = tpu.memref_slice %arg4[%add3A, %mul3A_122, %dma_start3A_123] : memref<32x10240x128xf32, #tpu.memory_space<hbm>> -> memref<1x64x128xf32, #tpu.memory_space<hbm>>
      %dma_start3A_125 = tpu.memref_squeeze %dma_start3A_124 : memref<1x64x128xf32, #tpu.memory_space<hbm>> -> memref<64x128xf32, #tpu.memory_space<hbm>>
      %dma_start3A_126 = arith.constant 0 : i32
      %dma_start3A_127 = tpu.memref_slice %arg4[%add3A, %mul3A_122, %dma_start3A_126] : memref<32x10240x128xf32, #tpu.memory_space<hbm>> -> memref<1x64x128xf32, #tpu.memory_space<hbm>>
      %dma_start3A_128 = tpu.memref_squeeze %dma_start3A_127 : memref<1x64x128xf32, #tpu.memory_space<hbm>> -> memref<64x128xf32, #tpu.memory_space<hbm>>
      tpu.enqueue_dma source(%arg8 : memref<64x128xf32, #tpu.memory_space<vmem>>) target(%dma_start3A_128 : memref<64x128xf32, #tpu.memory_space<hbm>>) target_semaphore(%arg17 : memref<!tpu.dma_semaphore, #tpu.memory_space<semaphore_mem>>)
      %add3A_129 = arith.constant 4 : i32
      %add3A_130 = arith.addi %add3A_107, %add3A_129 : i32
      %sub3A_131 = arith.constant 1 : i32
      %sub3A_132 = arith.subi %add3A_130, %sub3A_131 : i32
      %lt3A_133 = arith.constant 160 : i32
      %lt3A_134 = arith.cmpi slt, %sub3A_132, %lt3A_133 : i32
      %convert_element_type3A_135 = arith.extui %lt3A_134 : i1 to i32
      %cond3A_136 = arith.constant 0 : i32
      %cond3A_137 = arith.cmpi ne, %convert_element_type3A_135, %cond3A_136 : i32
      scf.if %cond3A_137 {
        %add3A_170 = arith.constant 4 : i32
        %add3A_171 = arith.addi %add3A_107, %add3A_170 : i32
        %sub3A_172 = arith.constant 1 : i32
        %sub3A_173 = arith.subi %add3A_171, %sub3A_172 : i32
        %mul3A_174 = arith.constant 64 : i32
        %mul3A_175 = arith.muli %sub3A_173, %mul3A_174 : i32
        %dma_start3A_176 = tpu.memref_slice %arg5[%mul3A_175] : memref<10240xi32, #tpu.memory_space<vmem>> -> memref<64xi32, #tpu.memory_space<vmem>>
        %dma_start3A_177 = arith.constant 0 : i32
        %dma_start3A_178 = arith.constant 0 : i32
        %dma_start3A_179 = tpu.memref_slice %arg10[%dma_start3A_177, %dma_start3A_178] : memref<10000x128xf32, #tpu.memory_space<vmem_shared>> -> memref<10000x128xf32, #tpu.memory_space<vmem_shared>>
        tpu.enqueue_indirect_dma source(%dma_start3A_179 : memref<10000x128xf32, #tpu.memory_space<vmem_shared>>) target(%arg7 : memref<64x128xf32, #tpu.memory_space<vmem>>) offsets(%dma_start3A_176 : memref<64xi32, #tpu.memory_space<vmem>>) semaphore(%arg12 : memref<!tpu.dma_semaphore, #tpu.memory_space<semaphore_mem>>)
      } else {
      }
      %add3A_138 = arith.constant 3 : i32
      %add3A_139 = arith.addi %mul3A_46, %add3A_138 : i32
      %dma_wait3A_140 = arith.constant 0 : i32
      %dma_wait3A_141 = tpu.memref_slice %arg5[%dma_wait3A_140] : memref<10240xi32, #tpu.memory_space<vmem>> -> memref<64xi32, #tpu.memory_space<vmem>>
      %dma_wait3A_142 = arith.constant 0 : i32
      %dma_wait3A_143 = arith.constant 0 : i32
      %dma_wait3A_144 = tpu.memref_slice %arg10[%dma_wait3A_142, %dma_wait3A_143] : memref<10000x128xf32, #tpu.memory_space<vmem_shared>> -> memref<10000x128xf32, #tpu.memory_space<vmem_shared>>
      tpu.wait_indirect_dma semaphore(%arg14 : memref<!tpu.dma_semaphore, #tpu.memory_space<semaphore_mem>>) src(%dma_wait3A_144 : memref<10000x128xf32, #tpu.memory_space<vmem_shared>>) dst(%arg9 : memref<64x128xf32, #tpu.memory_space<vmem>>)
      %dma_wait3A_145 = arith.constant 0 : i32
      %dma_wait3A_146 = arith.constant 0 : i32
      %dma_wait3A_147 = tpu.memref_slice %arg4[%add3A, %dma_wait3A_145, %dma_wait3A_146] : memref<32x10240x128xf32, #tpu.memory_space<hbm>> -> memref<1x64x128xf32, #tpu.memory_space<hbm>>
      %dma_wait3A_148 = tpu.memref_squeeze %dma_wait3A_147 : memref<1x64x128xf32, #tpu.memory_space<hbm>> -> memref<64x128xf32, #tpu.memory_space<hbm>>
      %dma_wait3A_149 = arith.constant 0 : i32
      %dma_wait3A_150 = arith.constant 0 : i32
      %dma_wait3A_151 = tpu.memref_slice %arg4[%add3A, %dma_wait3A_149, %dma_wait3A_150] : memref<32x10240x128xf32, #tpu.memory_space<hbm>> -> memref<1x64x128xf32, #tpu.memory_space<hbm>>
      %dma_wait3A_152 = tpu.memref_squeeze %dma_wait3A_151 : memref<1x64x128xf32, #tpu.memory_space<hbm>> -> memref<64x128xf32, #tpu.memory_space<hbm>>
      tpu.wait_dma2 semaphore(%arg17 : memref<!tpu.dma_semaphore, #tpu.memory_space<semaphore_mem>>) src(%arg8 : memref<64x128xf32, #tpu.memory_space<vmem>>) dst(%dma_wait3A_152 : memref<64x128xf32, #tpu.memory_space<hbm>>)
      %mul3A_153 = arith.constant 64 : i32
      %mul3A_154 = arith.muli %add3A_139, %mul3A_153 : i32
      %dma_start3A_155 = arith.constant 0 : i32
      %dma_start3A_156 = tpu.memref_slice %arg4[%add3A, %mul3A_154, %dma_start3A_155] : memref<32x10240x128xf32, #tpu.memory_space<hbm>> -> memref<1x64x128xf32, #tpu.memory_space<hbm>>
      %dma_start3A_157 = tpu.memref_squeeze %dma_start3A_156 : memref<1x64x128xf32, #tpu.memory_space<hbm>> -> memref<64x128xf32, #tpu.memory_space<hbm>>
      %dma_start3A_158 = arith.constant 0 : i32
      %dma_start3A_159 = tpu.memref_slice %arg4[%add3A, %mul3A_154, %dma_start3A_158] : memref<32x10240x128xf32, #tpu.memory_space<hbm>> -> memref<1x64x128xf32, #tpu.memory_space<hbm>>
      %dma_start3A_160 = tpu.memref_squeeze %dma_start3A_159 : memref<1x64x128xf32, #tpu.memory_space<hbm>> -> memref<64x128xf32, #tpu.memory_space<hbm>>
      tpu.enqueue_dma source(%arg9 : memref<64x128xf32, #tpu.memory_space<vmem>>) target(%dma_start3A_160 : memref<64x128xf32, #tpu.memory_space<hbm>>) target_semaphore(%arg18 : memref<!tpu.dma_semaphore, #tpu.memory_space<semaphore_mem>>)
      %add3A_161 = arith.constant 4 : i32
      %add3A_162 = arith.addi %add3A_139, %add3A_161 : i32
      %sub3A_163 = arith.constant 1 : i32
      %sub3A_164 = arith.subi %add3A_162, %sub3A_163 : i32
      %lt3A_165 = arith.constant 160 : i32
      %lt3A_166 = arith.cmpi slt, %sub3A_164, %lt3A_165 : i32
      %convert_element_type3A_167 = arith.extui %lt3A_166 : i1 to i32
      %cond3A_168 = arith.constant 0 : i32
      %cond3A_169 = arith.cmpi ne, %convert_element_type3A_167, %cond3A_168 : i32
      scf.if %cond3A_169 {
        %add3A_170 = arith.constant 4 : i32
        %add3A_171 = arith.addi %add3A_139, %add3A_170 : i32
        %sub3A_172 = arith.constant 1 : i32
        %sub3A_173 = arith.subi %add3A_171, %sub3A_172 : i32
        %mul3A_174 = arith.constant 64 : i32
        %mul3A_175 = arith.muli %sub3A_173, %mul3A_174 : i32
        %dma_start3A_176 = tpu.memref_slice %arg5[%mul3A_175] : memref<10240xi32, #tpu.memory_space<vmem>> -> memref<64xi32, #tpu.memory_space<vmem>>
        %dma_start3A_177 = arith.constant 0 : i32
        %dma_start3A_178 = arith.constant 0 : i32
        %dma_start3A_179 = tpu.memref_slice %arg10[%dma_start3A_177, %dma_start3A_178] : memref<10000x128xf32, #tpu.memory_space<vmem_shared>> -> memref<10000x128xf32, #tpu.memory_space<vmem_shared>>
        tpu.enqueue_indirect_dma source(%dma_start3A_179 : memref<10000x128xf32, #tpu.memory_space<vmem_shared>>) target(%arg8 : memref<64x128xf32, #tpu.memory_space<vmem>>) offsets(%dma_start3A_176 : memref<64xi32, #tpu.memory_space<vmem>>) semaphore(%arg13 : memref<!tpu.dma_semaphore, #tpu.memory_space<semaphore_mem>>)
      } else {
      }
    }
    %scan3A_35 = arith.constant 40 : i32
    %dma_wait3A_36 = arith.constant 0 : i32
    %dma_wait3A_37 = arith.constant 0 : i32
    %dma_wait3A_38 = tpu.memref_slice %arg4[%add3A, %dma_wait3A_36, %dma_wait3A_37] : memref<32x10240x128xf32, #tpu.memory_space<hbm>> -> memref<1x64x128xf32, #tpu.memory_space<hbm>>
    %dma_wait3A_39 = tpu.memref_squeeze %dma_wait3A_38 : memref<1x64x128xf32, #tpu.memory_space<hbm>> -> memref<64x128xf32, #tpu.memory_space<hbm>>
    %dma_wait3A_40 = arith.constant 0 : i32
    %dma_wait3A_41 = arith.constant 0 : i32
    %dma_wait3A_42 = tpu.memref_slice %arg4[%add3A, %dma_wait3A_40, %dma_wait3A_41] : memref<32x10240x128xf32, #tpu.memory_space<hbm>> -> memref<1x64x128xf32, #tpu.memory_space<hbm>>
    %dma_wait3A_43 = tpu.memref_squeeze %dma_wait3A_42 : memref<1x64x128xf32, #tpu.memory_space<hbm>> -> memref<64x128xf32, #tpu.memory_space<hbm>>
    tpu.wait_dma2 semaphore(%arg18 : memref<!tpu.dma_semaphore, #tpu.memory_space<semaphore_mem>>) src(%arg9 : memref<64x128xf32, #tpu.memory_space<vmem>>) dst(%dma_wait3A_43 : memref<64x128xf32, #tpu.memory_space<hbm>>)
    return
  }
}

#map = affine_map<(d0, d1) -> (0, 0)>
#map1 = affine_map<(d0, d1) -> (0, 0, 0)>
module attributes {stable_mosaic.version = 14 : i64} {
  func.func @_sc_reduce(%arg0: i32, %arg1: i32, %arg2: memref<32x10240xi32, #tpu.memory_space<hbm>>, %arg3: memref<32x10240x128xf32, #tpu.memory_space<hbm>>, %arg4: memref<2x10112x128xf32, #tpu.memory_space<hbm>>, %arg5: memref<10240xi32, #tpu.memory_space<vmem>>, %arg6: memref<64x128xf32, #tpu.memory_space<vmem>>, %arg7: memref<64x128xf32, #tpu.memory_space<vmem>>, %arg8: memref<64x128xf32, #tpu.memory_space<vmem>>, %arg9: memref<64x128xf32, #tpu.memory_space<vmem>>, %arg10: memref<10112x128xf32, #tpu.memory_space<vmem_shared>>, %arg11: memref<!tpu.dma_semaphore, #tpu.memory_space<semaphore_mem>>, %arg12: memref<!tpu.dma_semaphore, #tpu.memory_space<semaphore_mem>>, %arg13: memref<!tpu.dma_semaphore, #tpu.memory_space<semaphore_mem>>, %arg14: memref<!tpu.dma_semaphore, #tpu.memory_space<semaphore_mem>>, %arg15: memref<!tpu.dma_semaphore, #tpu.memory_space<semaphore_mem>>, %arg16: memref<!tpu.dma_semaphore, #tpu.memory_space<semaphore_mem>>, %arg17: memref<!tpu.dma_semaphore, #tpu.memory_space<semaphore_mem>>, %arg18: memref<!tpu.dma_semaphore, #tpu.memory_space<semaphore_mem>>) attributes {dimension_semantics = [#tpu.dimension_semantics<core_parallel>, #tpu.dimension_semantics<subcore_parallel>], iteration_bounds = array<i64: 2, 16>, scalar_prefetch = 0 : i64, scratch_operands = 14 : i64, tpu.core_type = #tpu.core_type<sc_vector_subcore>, window_params = [{transform_indices = #map}, {transform_indices = #map1}, {transform_indices = #map1}]} {
    %mul3A = arith.constant 16 : i32
    %mul3A_0 = arith.muli %arg0, %mul3A : i32
    %add3A = arith.addi %mul3A_0, %arg1 : i32
    %dma_start3A = arith.constant 0 : i32
    %dma_start3A_1 = tpu.memref_slice %arg2[%add3A, %dma_start3A] : memref<32x10240xi32, #tpu.memory_space<hbm>> -> memref<1x10240xi32, #tpu.memory_space<hbm>>
    %dma_start3A_2 = tpu.memref_squeeze %dma_start3A_1 : memref<1x10240xi32, #tpu.memory_space<hbm>> -> memref<10240xi32, #tpu.memory_space<hbm>>
    %dma_start3A_3 = arith.constant 0 : i32
    %dma_start3A_4 = tpu.memref_slice %arg2[%add3A, %dma_start3A_3] : memref<32x10240xi32, #tpu.memory_space<hbm>> -> memref<1x10240xi32, #tpu.memory_space<hbm>>
    %dma_start3A_5 = tpu.memref_squeeze %dma_start3A_4 : memref<1x10240xi32, #tpu.memory_space<hbm>> -> memref<10240xi32, #tpu.memory_space<hbm>>
    tpu.enqueue_dma source(%dma_start3A_5 : memref<10240xi32, #tpu.memory_space<hbm>>) target(%arg5 : memref<10240xi32, #tpu.memory_space<vmem>>) target_semaphore(%arg11 : memref<!tpu.dma_semaphore, #tpu.memory_space<semaphore_mem>>)
    %scan3A = arith.constant 0 : i32
    %scan3A_6 = arith.constant 64 : i32
    %scan3A_7 = arith.addi %scan3A, %scan3A_6 : i32
    %scan3A_8 = arith.constant 1 : i32
    scf.for %scan3A_94 = %scan3A to %scan3A_7 step %scan3A_8  : i32 {
      %broadcast_in_dim3A = arith.constant 0.000000e+00 : f32
      %broadcast_in_dim3A_95 = vector.broadcast %broadcast_in_dim3A : f32 to vector<16xf32>
      %swap3A = arith.index_cast %scan3A_94 : i32 to index
      %swap3A_96 = arith.constant 0 : index
      %swap3A_97 = tpu.vector_load %arg6[%swap3A, %swap3A_96] {strides = array<i32>} : memref<64x128xf32, #tpu.memory_space<vmem>>, vector<1x16xf32>,
      %swap3A_98 = vector.shape_cast %swap3A_97 : vector<1x16xf32> to vector<16xf32>
      %swap3A_99 = vector.shape_cast %broadcast_in_dim3A_95 : vector<16xf32> to vector<1x16xf32>
      tpu.vector_store %arg6[%swap3A, %swap3A_96], %swap3A_99 {strides = array<i32>} : memref<64x128xf32, #tpu.memory_space<vmem>>, vector<1x16xf32>,
      %broadcast_in_dim3A_100 = arith.constant 0.000000e+00 : f32
      %broadcast_in_dim3A_101 = vector.broadcast %broadcast_in_dim3A_100 : f32 to vector<16xf32>
      %swap3A_102 = arith.index_cast %scan3A_94 : i32 to index
      %swap3A_103 = arith.constant 16 : index
      %swap3A_104 = tpu.vector_load %arg6[%swap3A_102, %swap3A_103] {strides = array<i32>} : memref<64x128xf32, #tpu.memory_space<vmem>>, vector<1x16xf32>,
      %swap3A_105 = vector.shape_cast %swap3A_104 : vector<1x16xf32> to vector<16xf32>
      %swap3A_106 = vector.shape_cast %broadcast_in_dim3A_101 : vector<16xf32> to vector<1x16xf32>
      tpu.vector_store %arg6[%swap3A_102, %swap3A_103], %swap3A_106 {strides = array<i32>} : memref<64x128xf32, #tpu.memory_space<vmem>>, vector<1x16xf32>,
      %broadcast_in_dim3A_107 = arith.constant 0.000000e+00 : f32
      %broadcast_in_dim3A_108 = vector.broadcast %broadcast_in_dim3A_107 : f32 to vector<16xf32>
      %swap3A_109 = arith.index_cast %scan3A_94 : i32 to index
      %swap3A_110 = arith.constant 32 : index
      %swap3A_111 = tpu.vector_load %arg6[%swap3A_109, %swap3A_110] {strides = array<i32>} : memref<64x128xf32, #tpu.memory_space<vmem>>, vector<1x16xf32>,
      %swap3A_112 = vector.shape_cast %swap3A_111 : vector<1x16xf32> to vector<16xf32>
      %swap3A_113 = vector.shape_cast %broadcast_in_dim3A_108 : vector<16xf32> to vector<1x16xf32>
      tpu.vector_store %arg6[%swap3A_109, %swap3A_110], %swap3A_113 {strides = array<i32>} : memref<64x128xf32, #tpu.memory_space<vmem>>, vector<1x16xf32>,
      %broadcast_in_dim3A_114 = arith.constant 0.000000e+00 : f32
      %broadcast_in_dim3A_115 = vector.broadcast %broadcast_in_dim3A_114 : f32 to vector<16xf32>
      %swap3A_116 = arith.index_cast %scan3A_94 : i32 to index
      %swap3A_117 = arith.constant 48 : index
      %swap3A_118 = tpu.vector_load %arg6[%swap3A_116, %swap3A_117] {strides = array<i32>} : memref<64x128xf32, #tpu.memory_space<vmem>>, vector<1x16xf32>,
      %swap3A_119 = vector.shape_cast %swap3A_118 : vector<1x16xf32> to vector<16xf32>
      %swap3A_120 = vector.shape_cast %broadcast_in_dim3A_115 : vector<16xf32> to vector<1x16xf32>
      tpu.vector_store %arg6[%swap3A_116, %swap3A_117], %swap3A_120 {strides = array<i32>} : memref<64x128xf32, #tpu.memory_space<vmem>>, vector<1x16xf32>,
      %broadcast_in_dim3A_121 = arith.constant 0.000000e+00 : f32
      %broadcast_in_dim3A_122 = vector.broadcast %broadcast_in_dim3A_121 : f32 to vector<16xf32>
      %swap3A_123 = arith.index_cast %scan3A_94 : i32 to index
      %swap3A_124 = arith.constant 64 : index
      %swap3A_125 = tpu.vector_load %arg6[%swap3A_123, %swap3A_124] {strides = array<i32>} : memref<64x128xf32, #tpu.memory_space<vmem>>, vector<1x16xf32>,
      %swap3A_126 = vector.shape_cast %swap3A_125 : vector<1x16xf32> to vector<16xf32>
      %swap3A_127 = vector.shape_cast %broadcast_in_dim3A_122 : vector<16xf32> to vector<1x16xf32>
      tpu.vector_store %arg6[%swap3A_123, %swap3A_124], %swap3A_127 {strides = array<i32>} : memref<64x128xf32, #tpu.memory_space<vmem>>, vector<1x16xf32>,
      %broadcast_in_dim3A_128 = arith.constant 0.000000e+00 : f32
      %broadcast_in_dim3A_129 = vector.broadcast %broadcast_in_dim3A_128 : f32 to vector<16xf32>
      %swap3A_130 = arith.index_cast %scan3A_94 : i32 to index
      %swap3A_131 = arith.constant 80 : index
      %swap3A_132 = tpu.vector_load %arg6[%swap3A_130, %swap3A_131] {strides = array<i32>} : memref<64x128xf32, #tpu.memory_space<vmem>>, vector<1x16xf32>,
      %swap3A_133 = vector.shape_cast %swap3A_132 : vector<1x16xf32> to vector<16xf32>
      %swap3A_134 = vector.shape_cast %broadcast_in_dim3A_129 : vector<16xf32> to vector<1x16xf32>
      tpu.vector_store %arg6[%swap3A_130, %swap3A_131], %swap3A_134 {strides = array<i32>} : memref<64x128xf32, #tpu.memory_space<vmem>>, vector<1x16xf32>,
      %broadcast_in_dim3A_135 = arith.constant 0.000000e+00 : f32
      %broadcast_in_dim3A_136 = vector.broadcast %broadcast_in_dim3A_135 : f32 to vector<16xf32>
      %swap3A_137 = arith.index_cast %scan3A_94 : i32 to index
      %swap3A_138 = arith.constant 96 : index
      %swap3A_139 = tpu.vector_load %arg6[%swap3A_137, %swap3A_138] {strides = array<i32>} : memref<64x128xf32, #tpu.memory_space<vmem>>, vector<1x16xf32>,
      %swap3A_140 = vector.shape_cast %swap3A_139 : vector<1x16xf32> to vector<16xf32>
      %swap3A_141 = vector.shape_cast %broadcast_in_dim3A_136 : vector<16xf32> to vector<1x16xf32>
      tpu.vector_store %arg6[%swap3A_137, %swap3A_138], %swap3A_141 {strides = array<i32>} : memref<64x128xf32, #tpu.memory_space<vmem>>, vector<1x16xf32>,
      %broadcast_in_dim3A_142 = arith.constant 0.000000e+00 : f32
      %broadcast_in_dim3A_143 = vector.broadcast %broadcast_in_dim3A_142 : f32 to vector<16xf32>
      %swap3A_144 = arith.index_cast %scan3A_94 : i32 to index
      %swap3A_145 = arith.constant 112 : index
      %swap3A_146 = tpu.vector_load %arg6[%swap3A_144, %swap3A_145] {strides = array<i32>} : memref<64x128xf32, #tpu.memory_space<vmem>>, vector<1x16xf32>,
      %swap3A_147 = vector.shape_cast %swap3A_146 : vector<1x16xf32> to vector<16xf32>
      %swap3A_148 = vector.shape_cast %broadcast_in_dim3A_143 : vector<16xf32> to vector<1x16xf32>
      tpu.vector_store %arg6[%swap3A_144, %swap3A_145], %swap3A_148 {strides = array<i32>} : memref<64x128xf32, #tpu.memory_space<vmem>>, vector<1x16xf32>,
    }
    %scan3A_9 = arith.constant 64 : i32
    %mul3A_10 = arith.constant 632 : i32
    %mul3A_11 = arith.muli %arg1, %mul3A_10 : i32
    %add3A_12 = arith.constant 0 : i32
    %add3A_13 = arith.addi %mul3A_11, %add3A_12 : i32
    "tpu.region"() ({
      %run_scoped3A = tpu.sem_alloc : memref<!tpu.dma_semaphore, #tpu.memory_space<semaphore_mem>>
      %dma_start3A_94 = arith.constant 0 : i32
      %dma_start3A_95 = tpu.memref_slice %arg10[%add3A_13, %dma_start3A_94] : memref<10112x128xf32, #tpu.memory_space<vmem_shared>> -> memref<64x128xf32, #tpu.memory_space<vmem_shared>>
      %dma_start3A_96 = arith.constant 0 : i32
      %dma_start3A_97 = tpu.memref_slice %arg10[%add3A_13, %dma_start3A_96] : memref<10112x128xf32, #tpu.memory_space<vmem_shared>> -> memref<64x128xf32, #tpu.memory_space<vmem_shared>>
      tpu.enqueue_dma source(%arg6 : memref<64x128xf32, #tpu.memory_space<vmem>>) target(%dma_start3A_97 : memref<64x128xf32, #tpu.memory_space<vmem_shared>>) target_semaphore(%run_scoped3A : memref<!tpu.dma_semaphore, #tpu.memory_space<semaphore_mem>>)
      %dma_wait3A_98 = arith.constant 0 : i32
      %dma_wait3A_99 = tpu.memref_slice %arg10[%add3A_13, %dma_wait3A_98] : memref<10112x128xf32, #tpu.memory_space<vmem_shared>> -> memref<64x128xf32, #tpu.memory_space<vmem_shared>>
      %dma_wait3A_100 = arith.constant 0 : i32
      %dma_wait3A_101 = tpu.memref_slice %arg10[%add3A_13, %dma_wait3A_100] : memref<10112x128xf32, #tpu.memory_space<vmem_shared>> -> memref<64x128xf32, #tpu.memory_space<vmem_shared>>
      tpu.wait_dma2 semaphore(%run_scoped3A : memref<!tpu.dma_semaphore, #tpu.memory_space<semaphore_mem>>) src(%arg6 : memref<64x128xf32, #tpu.memory_space<vmem>>) dst(%dma_wait3A_101 : memref<64x128xf32, #tpu.memory_space<vmem_shared>>)
      tpu.yield
    }) : () -> ()
    %mul3A_14 = arith.constant 632 : i32
    %mul3A_15 = arith.muli %arg1, %mul3A_14 : i32
    %add3A_16 = arith.constant 64 : i32
    %add3A_17 = arith.addi %mul3A_15, %add3A_16 : i32
    "tpu.region"() ({
      %run_scoped3A = tpu.sem_alloc : memref<!tpu.dma_semaphore, #tpu.memory_space<semaphore_mem>>
      %dma_start3A_94 = arith.constant 0 : i32
      %dma_start3A_95 = tpu.memref_slice %arg10[%add3A_17, %dma_start3A_94] : memref<10112x128xf32, #tpu.memory_space<vmem_shared>> -> memref<64x128xf32, #tpu.memory_space<vmem_shared>>
      %dma_start3A_96 = arith.constant 0 : i32
      %dma_start3A_97 = tpu.memref_slice %arg10[%add3A_17, %dma_start3A_96] : memref<10112x128xf32, #tpu.memory_space<vmem_shared>> -> memref<64x128xf32, #tpu.memory_space<vmem_shared>>
      tpu.enqueue_dma source(%arg6 : memref<64x128xf32, #tpu.memory_space<vmem>>) target(%dma_start3A_97 : memref<64x128xf32, #tpu.memory_space<vmem_shared>>) target_semaphore(%run_scoped3A : memref<!tpu.dma_semaphore, #tpu.memory_space<semaphore_mem>>)
      %dma_wait3A_98 = arith.constant 0 : i32
      %dma_wait3A_99 = tpu.memref_slice %arg10[%add3A_17, %dma_wait3A_98] : memref<10112x128xf32, #tpu.memory_space<vmem_shared>> -> memref<64x128xf32, #tpu.memory_space<vmem_shared>>
      %dma_wait3A_100 = arith.constant 0 : i32
      %dma_wait3A_101 = tpu.memref_slice %arg10[%add3A_17, %dma_wait3A_100] : memref<10112x128xf32, #tpu.memory_space<vmem_shared>> -> memref<64x128xf32, #tpu.memory_space<vmem_shared>>
      tpu.wait_dma2 semaphore(%run_scoped3A : memref<!tpu.dma_semaphore, #tpu.memory_space<semaphore_mem>>) src(%arg6 : memref<64x128xf32, #tpu.memory_space<vmem>>) dst(%dma_wait3A_101 : memref<64x128xf32, #tpu.memory_space<vmem_shared>>)
      tpu.yield
    }) : () -> ()
    %mul3A_18 = arith.constant 632 : i32
    %mul3A_19 = arith.muli %arg1, %mul3A_18 : i32
    %add3A_20 = arith.constant 128 : i32
    %add3A_21 = arith.addi %mul3A_19, %add3A_20 : i32
    "tpu.region"() ({
      %run_scoped3A = tpu.sem_alloc : memref<!tpu.dma_semaphore, #tpu.memory_space<semaphore_mem>>
      %dma_start3A_94 = arith.constant 0 : i32
      %dma_start3A_95 = tpu.memref_slice %arg10[%add3A_21, %dma_start3A_94] : memref<10112x128xf32, #tpu.memory_space<vmem_shared>> -> memref<64x128xf32, #tpu.memory_space<vmem_shared>>
      %dma_start3A_96 = arith.constant 0 : i32
      %dma_start3A_97 = tpu.memref_slice %arg10[%add3A_21, %dma_start3A_96] : memref<10112x128xf32, #tpu.memory_space<vmem_shared>> -> memref<64x128xf32, #tpu.memory_space<vmem_shared>>
      tpu.enqueue_dma source(%arg6 : memref<64x128xf32, #tpu.memory_space<vmem>>) target(%dma_start3A_97 : memref<64x128xf32, #tpu.memory_space<vmem_shared>>) target_semaphore(%run_scoped3A : memref<!tpu.dma_semaphore, #tpu.memory_space<semaphore_mem>>)
      %dma_wait3A_98 = arith.constant 0 : i32
      %dma_wait3A_99 = tpu.memref_slice %arg10[%add3A_21, %dma_wait3A_98] : memref<10112x128xf32, #tpu.memory_space<vmem_shared>> -> memref<64x128xf32, #tpu.memory_space<vmem_shared>>
      %dma_wait3A_100 = arith.constant 0 : i32
      %dma_wait3A_101 = tpu.memref_slice %arg10[%add3A_21, %dma_wait3A_100] : memref<10112x128xf32, #tpu.memory_space<vmem_shared>> -> memref<64x128xf32, #tpu.memory_space<vmem_shared>>
      tpu.wait_dma2 semaphore(%run_scoped3A : memref<!tpu.dma_semaphore, #tpu.memory_space<semaphore_mem>>) src(%arg6 : memref<64x128xf32, #tpu.memory_space<vmem>>) dst(%dma_wait3A_101 : memref<64x128xf32, #tpu.memory_space<vmem_shared>>)
      tpu.yield
    }) : () -> ()
    %mul3A_22 = arith.constant 632 : i32
    %mul3A_23 = arith.muli %arg1, %mul3A_22 : i32
    %add3A_24 = arith.constant 192 : i32
    %add3A_25 = arith.addi %mul3A_23, %add3A_24 : i32
    "tpu.region"() ({
      %run_scoped3A = tpu.sem_alloc : memref<!tpu.dma_semaphore, #tpu.memory_space<semaphore_mem>>
      %dma_start3A_94 = arith.constant 0 : i32
      %dma_start3A_95 = tpu.memref_slice %arg10[%add3A_25, %dma_start3A_94] : memref<10112x128xf32, #tpu.memory_space<vmem_shared>> -> memref<64x128xf32, #tpu.memory_space<vmem_shared>>
      %dma_start3A_96 = arith.constant 0 : i32
      %dma_start3A_97 = tpu.memref_slice %arg10[%add3A_25, %dma_start3A_96] : memref<10112x128xf32, #tpu.memory_space<vmem_shared>> -> memref<64x128xf32, #tpu.memory_space<vmem_shared>>
      tpu.enqueue_dma source(%arg6 : memref<64x128xf32, #tpu.memory_space<vmem>>) target(%dma_start3A_97 : memref<64x128xf32, #tpu.memory_space<vmem_shared>>) target_semaphore(%run_scoped3A : memref<!tpu.dma_semaphore, #tpu.memory_space<semaphore_mem>>)
      %dma_wait3A_98 = arith.constant 0 : i32
      %dma_wait3A_99 = tpu.memref_slice %arg10[%add3A_25, %dma_wait3A_98] : memref<10112x128xf32, #tpu.memory_space<vmem_shared>> -> memref<64x128xf32, #tpu.memory_space<vmem_shared>>
      %dma_wait3A_100 = arith.constant 0 : i32
      %dma_wait3A_101 = tpu.memref_slice %arg10[%add3A_25, %dma_wait3A_100] : memref<10112x128xf32, #tpu.memory_space<vmem_shared>> -> memref<64x128xf32, #tpu.memory_space<vmem_shared>>
      tpu.wait_dma2 semaphore(%run_scoped3A : memref<!tpu.dma_semaphore, #tpu.memory_space<semaphore_mem>>) src(%arg6 : memref<64x128xf32, #tpu.memory_space<vmem>>) dst(%dma_wait3A_101 : memref<64x128xf32, #tpu.memory_space<vmem_shared>>)
      tpu.yield
    }) : () -> ()
    %mul3A_26 = arith.constant 632 : i32
    %mul3A_27 = arith.muli %arg1, %mul3A_26 : i32
    %add3A_28 = arith.constant 256 : i32
    %add3A_29 = arith.addi %mul3A_27, %add3A_28 : i32
    "tpu.region"() ({
      %run_scoped3A = tpu.sem_alloc : memref<!tpu.dma_semaphore, #tpu.memory_space<semaphore_mem>>
      %dma_start3A_94 = arith.constant 0 : i32
      %dma_start3A_95 = tpu.memref_slice %arg10[%add3A_29, %dma_start3A_94] : memref<10112x128xf32, #tpu.memory_space<vmem_shared>> -> memref<64x128xf32, #tpu.memory_space<vmem_shared>>
      %dma_start3A_96 = arith.constant 0 : i32
      %dma_start3A_97 = tpu.memref_slice %arg10[%add3A_29, %dma_start3A_96] : memref<10112x128xf32, #tpu.memory_space<vmem_shared>> -> memref<64x128xf32, #tpu.memory_space<vmem_shared>>
      tpu.enqueue_dma source(%arg6 : memref<64x128xf32, #tpu.memory_space<vmem>>) target(%dma_start3A_97 : memref<64x128xf32, #tpu.memory_space<vmem_shared>>) target_semaphore(%run_scoped3A : memref<!tpu.dma_semaphore, #tpu.memory_space<semaphore_mem>>)
      %dma_wait3A_98 = arith.constant 0 : i32
      %dma_wait3A_99 = tpu.memref_slice %arg10[%add3A_29, %dma_wait3A_98] : memref<10112x128xf32, #tpu.memory_space<vmem_shared>> -> memref<64x128xf32, #tpu.memory_space<vmem_shared>>
      %dma_wait3A_100 = arith.constant 0 : i32
      %dma_wait3A_101 = tpu.memref_slice %arg10[%add3A_29, %dma_wait3A_100] : memref<10112x128xf32, #tpu.memory_space<vmem_shared>> -> memref<64x128xf32, #tpu.memory_space<vmem_shared>>
      tpu.wait_dma2 semaphore(%run_scoped3A : memref<!tpu.dma_semaphore, #tpu.memory_space<semaphore_mem>>) src(%arg6 : memref<64x128xf32, #tpu.memory_space<vmem>>) dst(%dma_wait3A_101 : memref<64x128xf32, #tpu.memory_space<vmem_shared>>)
      tpu.yield
    }) : () -> ()
    %mul3A_30 = arith.constant 632 : i32
    %mul3A_31 = arith.muli %arg1, %mul3A_30 : i32
    %add3A_32 = arith.constant 320 : i32
    %add3A_33 = arith.addi %mul3A_31, %add3A_32 : i32
    "tpu.region"() ({
      %run_scoped3A = tpu.sem_alloc : memref<!tpu.dma_semaphore, #tpu.memory_space<semaphore_mem>>
      %dma_start3A_94 = arith.constant 0 : i32
      %dma_start3A_95 = tpu.memref_slice %arg10[%add3A_33, %dma_start3A_94] : memref<10112x128xf32, #tpu.memory_space<vmem_shared>> -> memref<64x128xf32, #tpu.memory_space<vmem_shared>>
      %dma_start3A_96 = arith.constant 0 : i32
      %dma_start3A_97 = tpu.memref_slice %arg10[%add3A_33, %dma_start3A_96] : memref<10112x128xf32, #tpu.memory_space<vmem_shared>> -> memref<64x128xf32, #tpu.memory_space<vmem_shared>>
      tpu.enqueue_dma source(%arg6 : memref<64x128xf32, #tpu.memory_space<vmem>>) target(%dma_start3A_97 : memref<64x128xf32, #tpu.memory_space<vmem_shared>>) target_semaphore(%run_scoped3A : memref<!tpu.dma_semaphore, #tpu.memory_space<semaphore_mem>>)
      %dma_wait3A_98 = arith.constant 0 : i32
      %dma_wait3A_99 = tpu.memref_slice %arg10[%add3A_33, %dma_wait3A_98] : memref<10112x128xf32, #tpu.memory_space<vmem_shared>> -> memref<64x128xf32, #tpu.memory_space<vmem_shared>>
      %dma_wait3A_100 = arith.constant 0 : i32
      %dma_wait3A_101 = tpu.memref_slice %arg10[%add3A_33, %dma_wait3A_100] : memref<10112x128xf32, #tpu.memory_space<vmem_shared>> -> memref<64x128xf32, #tpu.memory_space<vmem_shared>>
      tpu.wait_dma2 semaphore(%run_scoped3A : memref<!tpu.dma_semaphore, #tpu.memory_space<semaphore_mem>>) src(%arg6 : memref<64x128xf32, #tpu.memory_space<vmem>>) dst(%dma_wait3A_101 : memref<64x128xf32, #tpu.memory_space<vmem_shared>>)
      tpu.yield
    }) : () -> ()
    %mul3A_34 = arith.constant 632 : i32
    %mul3A_35 = arith.muli %arg1, %mul3A_34 : i32
    %add3A_36 = arith.constant 384 : i32
    %add3A_37 = arith.addi %mul3A_35, %add3A_36 : i32
    "tpu.region"() ({
      %run_scoped3A = tpu.sem_alloc : memref<!tpu.dma_semaphore, #tpu.memory_space<semaphore_mem>>
      %dma_start3A_94 = arith.constant 0 : i32
      %dma_start3A_95 = tpu.memref_slice %arg10[%add3A_37, %dma_start3A_94] : memref<10112x128xf32, #tpu.memory_space<vmem_shared>> -> memref<64x128xf32, #tpu.memory_space<vmem_shared>>
      %dma_start3A_96 = arith.constant 0 : i32
      %dma_start3A_97 = tpu.memref_slice %arg10[%add3A_37, %dma_start3A_96] : memref<10112x128xf32, #tpu.memory_space<vmem_shared>> -> memref<64x128xf32, #tpu.memory_space<vmem_shared>>
      tpu.enqueue_dma source(%arg6 : memref<64x128xf32, #tpu.memory_space<vmem>>) target(%dma_start3A_97 : memref<64x128xf32, #tpu.memory_space<vmem_shared>>) target_semaphore(%run_scoped3A : memref<!tpu.dma_semaphore, #tpu.memory_space<semaphore_mem>>)
      %dma_wait3A_98 = arith.constant 0 : i32
      %dma_wait3A_99 = tpu.memref_slice %arg10[%add3A_37, %dma_wait3A_98] : memref<10112x128xf32, #tpu.memory_space<vmem_shared>> -> memref<64x128xf32, #tpu.memory_space<vmem_shared>>
      %dma_wait3A_100 = arith.constant 0 : i32
      %dma_wait3A_101 = tpu.memref_slice %arg10[%add3A_37, %dma_wait3A_100] : memref<10112x128xf32, #tpu.memory_space<vmem_shared>> -> memref<64x128xf32, #tpu.memory_space<vmem_shared>>
      tpu.wait_dma2 semaphore(%run_scoped3A : memref<!tpu.dma_semaphore, #tpu.memory_space<semaphore_mem>>) src(%arg6 : memref<64x128xf32, #tpu.memory_space<vmem>>) dst(%dma_wait3A_101 : memref<64x128xf32, #tpu.memory_space<vmem_shared>>)
      tpu.yield
    }) : () -> ()
    %mul3A_38 = arith.constant 632 : i32
    %mul3A_39 = arith.muli %arg1, %mul3A_38 : i32
    %add3A_40 = arith.constant 448 : i32
    %add3A_41 = arith.addi %mul3A_39, %add3A_40 : i32
    "tpu.region"() ({
      %run_scoped3A = tpu.sem_alloc : memref<!tpu.dma_semaphore, #tpu.memory_space<semaphore_mem>>
      %dma_start3A_94 = arith.constant 0 : i32
      %dma_start3A_95 = tpu.memref_slice %arg10[%add3A_41, %dma_start3A_94] : memref<10112x128xf32, #tpu.memory_space<vmem_shared>> -> memref<64x128xf32, #tpu.memory_space<vmem_shared>>
      %dma_start3A_96 = arith.constant 0 : i32
      %dma_start3A_97 = tpu.memref_slice %arg10[%add3A_41, %dma_start3A_96] : memref<10112x128xf32, #tpu.memory_space<vmem_shared>> -> memref<64x128xf32, #tpu.memory_space<vmem_shared>>
      tpu.enqueue_dma source(%arg6 : memref<64x128xf32, #tpu.memory_space<vmem>>) target(%dma_start3A_97 : memref<64x128xf32, #tpu.memory_space<vmem_shared>>) target_semaphore(%run_scoped3A : memref<!tpu.dma_semaphore, #tpu.memory_space<semaphore_mem>>)
      %dma_wait3A_98 = arith.constant 0 : i32
      %dma_wait3A_99 = tpu.memref_slice %arg10[%add3A_41, %dma_wait3A_98] : memref<10112x128xf32, #tpu.memory_space<vmem_shared>> -> memref<64x128xf32, #tpu.memory_space<vmem_shared>>
      %dma_wait3A_100 = arith.constant 0 : i32
      %dma_wait3A_101 = tpu.memref_slice %arg10[%add3A_41, %dma_wait3A_100] : memref<10112x128xf32, #tpu.memory_space<vmem_shared>> -> memref<64x128xf32, #tpu.memory_space<vmem_shared>>
      tpu.wait_dma2 semaphore(%run_scoped3A : memref<!tpu.dma_semaphore, #tpu.memory_space<semaphore_mem>>) src(%arg6 : memref<64x128xf32, #tpu.memory_space<vmem>>) dst(%dma_wait3A_101 : memref<64x128xf32, #tpu.memory_space<vmem_shared>>)
      tpu.yield
    }) : () -> ()
    %mul3A_42 = arith.constant 632 : i32
    %mul3A_43 = arith.muli %arg1, %mul3A_42 : i32
    %add3A_44 = arith.constant 512 : i32
    %add3A_45 = arith.addi %mul3A_43, %add3A_44 : i32
    "tpu.region"() ({
      %run_scoped3A = tpu.sem_alloc : memref<!tpu.dma_semaphore, #tpu.memory_space<semaphore_mem>>
      %dma_start3A_94 = arith.constant 0 : i32
      %dma_start3A_95 = tpu.memref_slice %arg10[%add3A_45, %dma_start3A_94] : memref<10112x128xf32, #tpu.memory_space<vmem_shared>> -> memref<64x128xf32, #tpu.memory_space<vmem_shared>>
      %dma_start3A_96 = arith.constant 0 : i32
      %dma_start3A_97 = tpu.memref_slice %arg10[%add3A_45, %dma_start3A_96] : memref<10112x128xf32, #tpu.memory_space<vmem_shared>> -> memref<64x128xf32, #tpu.memory_space<vmem_shared>>
      tpu.enqueue_dma source(%arg6 : memref<64x128xf32, #tpu.memory_space<vmem>>) target(%dma_start3A_97 : memref<64x128xf32, #tpu.memory_space<vmem_shared>>) target_semaphore(%run_scoped3A : memref<!tpu.dma_semaphore, #tpu.memory_space<semaphore_mem>>)
      %dma_wait3A_98 = arith.constant 0 : i32
      %dma_wait3A_99 = tpu.memref_slice %arg10[%add3A_45, %dma_wait3A_98] : memref<10112x128xf32, #tpu.memory_space<vmem_shared>> -> memref<64x128xf32, #tpu.memory_space<vmem_shared>>
      %dma_wait3A_100 = arith.constant 0 : i32
      %dma_wait3A_101 = tpu.memref_slice %arg10[%add3A_45, %dma_wait3A_100] : memref<10112x128xf32, #tpu.memory_space<vmem_shared>> -> memref<64x128xf32, #tpu.memory_space<vmem_shared>>
      tpu.wait_dma2 semaphore(%run_scoped3A : memref<!tpu.dma_semaphore, #tpu.memory_space<semaphore_mem>>) src(%arg6 : memref<64x128xf32, #tpu.memory_space<vmem>>) dst(%dma_wait3A_101 : memref<64x128xf32, #tpu.memory_space<vmem_shared>>)
      tpu.yield
    }) : () -> ()
    %mul3A_46 = arith.constant 632 : i32
    %mul3A_47 = arith.muli %arg1, %mul3A_46 : i32
    %add3A_48 = arith.constant 576 : i32
    %add3A_49 = arith.addi %mul3A_47, %add3A_48 : i32
    "tpu.region"() ({
      %run_scoped3A = tpu.sem_alloc : memref<!tpu.dma_semaphore, #tpu.memory_space<semaphore_mem>>
      %dma_start3A_94 = arith.constant 0 : i32
      %dma_start3A_95 = arith.constant 0 : i32
      %dma_start3A_96 = tpu.memref_slice %arg6[%dma_start3A_94, %dma_start3A_95] : memref<64x128xf32, #tpu.memory_space<vmem>> -> memref<56x128xf32, #tpu.memory_space<vmem>>
      %dma_start3A_97 = arith.constant 0 : i32
      %dma_start3A_98 = tpu.memref_slice %arg10[%add3A_49, %dma_start3A_97] : memref<10112x128xf32, #tpu.memory_space<vmem_shared>> -> memref<56x128xf32, #tpu.memory_space<vmem_shared>>
      %dma_start3A_99 = arith.constant 0 : i32
      %dma_start3A_100 = tpu.memref_slice %arg10[%add3A_49, %dma_start3A_99] : memref<10112x128xf32, #tpu.memory_space<vmem_shared>> -> memref<56x128xf32, #tpu.memory_space<vmem_shared>>
      %dma_start3A_101 = arith.constant 0 : i32
      %dma_start3A_102 = arith.constant 0 : i32
      %dma_start3A_103 = tpu.memref_slice %arg6[%dma_start3A_101, %dma_start3A_102] : memref<64x128xf32, #tpu.memory_space<vmem>> -> memref<56x128xf32, #tpu.memory_space<vmem>>
      tpu.enqueue_dma source(%dma_start3A_103 : memref<56x128xf32, #tpu.memory_space<vmem>>) target(%dma_start3A_100 : memref<56x128xf32, #tpu.memory_space<vmem_shared>>) target_semaphore(%run_scoped3A : memref<!tpu.dma_semaphore, #tpu.memory_space<semaphore_mem>>)
      %dma_wait3A_104 = arith.constant 0 : i32
      %dma_wait3A_105 = arith.constant 0 : i32
      %dma_wait3A_106 = tpu.memref_slice %arg6[%dma_wait3A_104, %dma_wait3A_105] : memref<64x128xf32, #tpu.memory_space<vmem>> -> memref<56x128xf32, #tpu.memory_space<vmem>>
      %dma_wait3A_107 = arith.constant 0 : i32
      %dma_wait3A_108 = tpu.memref_slice %arg10[%add3A_49, %dma_wait3A_107] : memref<10112x128xf32, #tpu.memory_space<vmem_shared>> -> memref<56x128xf32, #tpu.memory_space<vmem_shared>>
      %dma_wait3A_109 = arith.constant 0 : i32
      %dma_wait3A_110 = tpu.memref_slice %arg10[%add3A_49, %dma_wait3A_109] : memref<10112x128xf32, #tpu.memory_space<vmem_shared>> -> memref<56x128xf32, #tpu.memory_space<vmem_shared>>
      %dma_wait3A_111 = arith.constant 0 : i32
      %dma_wait3A_112 = arith.constant 0 : i32
      %dma_wait3A_113 = tpu.memref_slice %arg6[%dma_wait3A_111, %dma_wait3A_112] : memref<64x128xf32, #tpu.memory_space<vmem>> -> memref<56x128xf32, #tpu.memory_space<vmem>>
      tpu.wait_dma2 semaphore(%run_scoped3A : memref<!tpu.dma_semaphore, #tpu.memory_space<semaphore_mem>>) src(%dma_wait3A_113 : memref<56x128xf32, #tpu.memory_space<vmem>>) dst(%dma_wait3A_110 : memref<56x128xf32, #tpu.memory_space<vmem_shared>>)
      tpu.yield
    }) : () -> ()
    %dma_wait3A = arith.constant 0 : i32
    %dma_wait3A_50 = tpu.memref_slice %arg2[%add3A, %dma_wait3A] : memref<32x10240xi32, #tpu.memory_space<hbm>> -> memref<1x10240xi32, #tpu.memory_space<hbm>>
    %dma_wait3A_51 = tpu.memref_squeeze %dma_wait3A_50 : memref<1x10240xi32, #tpu.memory_space<hbm>> -> memref<10240xi32, #tpu.memory_space<hbm>>
    %dma_wait3A_52 = arith.constant 0 : i32
    %dma_wait3A_53 = tpu.memref_slice %arg2[%add3A, %dma_wait3A_52] : memref<32x10240xi32, #tpu.memory_space<hbm>> -> memref<1x10240xi32, #tpu.memory_space<hbm>>
    %dma_wait3A_54 = tpu.memref_squeeze %dma_wait3A_53 : memref<1x10240xi32, #tpu.memory_space<hbm>> -> memref<10240xi32, #tpu.memory_space<hbm>>
    tpu.wait_dma2 semaphore(%arg11 : memref<!tpu.dma_semaphore, #tpu.memory_space<semaphore_mem>>) src(%dma_wait3A_54 : memref<10240xi32, #tpu.memory_space<hbm>>) dst(%arg5 : memref<10240xi32, #tpu.memory_space<vmem>>)
    %barrier3A = arith.constant 0 : index
    tpu.barrier barrier_id(%barrier3A)
    %dma_start3A_55 = arith.constant 0 : i32
    %dma_start3A_56 = arith.constant 0 : i32
    %dma_start3A_57 = tpu.memref_slice %arg3[%add3A, %dma_start3A_55, %dma_start3A_56] : memref<32x10240x128xf32, #tpu.memory_space<hbm>> -> memref<1x64x128xf32, #tpu.memory_space<hbm>>
    %dma_start3A_58 = tpu.memref_squeeze %dma_start3A_57 : memref<1x64x128xf32, #tpu.memory_space<hbm>> -> memref<64x128xf32, #tpu.memory_space<hbm>>
    %dma_start3A_59 = arith.constant 0 : i32
    %dma_start3A_60 = arith.constant 0 : i32
    %dma_start3A_61 = tpu.memref_slice %arg3[%add3A, %dma_start3A_59, %dma_start3A_60] : memref<32x10240x128xf32, #tpu.memory_space<hbm>> -> memref<1x64x128xf32, #tpu.memory_space<hbm>>
    %dma_start3A_62 = tpu.memref_squeeze %dma_start3A_61 : memref<1x64x128xf32, #tpu.memory_space<hbm>> -> memref<64x128xf32, #tpu.memory_space<hbm>>
    tpu.enqueue_dma source(%dma_start3A_62 : memref<64x128xf32, #tpu.memory_space<hbm>>) target(%arg6 : memref<64x128xf32, #tpu.memory_space<vmem>>) target_semaphore(%arg11 : memref<!tpu.dma_semaphore, #tpu.memory_space<semaphore_mem>>)
    %dma_start3A_63 = arith.constant 64 : i32
    %dma_start3A_64 = arith.constant 0 : i32
    %dma_start3A_65 = tpu.memref_slice %arg3[%add3A, %dma_start3A_63, %dma_start3A_64] : memref<32x10240x128xf32, #tpu.memory_space<hbm>> -> memref<1x64x128xf32, #tpu.memory_space<hbm>>
    %dma_start3A_66 = tpu.memref_squeeze %dma_start3A_65 : memref<1x64x128xf32, #tpu.memory_space<hbm>> -> memref<64x128xf32, #tpu.memory_space<hbm>>
    %dma_start3A_67 = arith.constant 64 : i32
    %dma_start3A_68 = arith.constant 0 : i32
    %dma_start3A_69 = tpu.memref_slice %arg3[%add3A, %dma_start3A_67, %dma_start3A_68] : memref<32x10240x128xf32, #tpu.memory_space<hbm>> -> memref<1x64x128xf32, #tpu.memory_space<hbm>>
    %dma_start3A_70 = tpu.memref_squeeze %dma_start3A_69 : memref<1x64x128xf32, #tpu.memory_space<hbm>> -> memref<64x128xf32, #tpu.memory_space<hbm>>
    tpu.enqueue_dma source(%dma_start3A_70 : memref<64x128xf32, #tpu.memory_space<hbm>>) target(%arg7 : memref<64x128xf32, #tpu.memory_space<vmem>>) target_semaphore(%arg12 : memref<!tpu.dma_semaphore, #tpu.memory_space<semaphore_mem>>)
    %dma_start3A_71 = arith.constant 128 : i32
    %dma_start3A_72 = arith.constant 0 : i32
    %dma_start3A_73 = tpu.memref_slice %arg3[%add3A, %dma_start3A_71, %dma_start3A_72] : memref<32x10240x128xf32, #tpu.memory_space<hbm>> -> memref<1x64x128xf32, #tpu.memory_space<hbm>>
    %dma_start3A_74 = tpu.memref_squeeze %dma_start3A_73 : memref<1x64x128xf32, #tpu.memory_space<hbm>> -> memref<64x128xf32, #tpu.memory_space<hbm>>
    %dma_start3A_75 = arith.constant 128 : i32
    %dma_start3A_76 = arith.constant 0 : i32
    %dma_start3A_77 = tpu.memref_slice %arg3[%add3A, %dma_start3A_75, %dma_start3A_76] : memref<32x10240x128xf32, #tpu.memory_space<hbm>> -> memref<1x64x128xf32, #tpu.memory_space<hbm>>
    %dma_start3A_78 = tpu.memref_squeeze %dma_start3A_77 : memref<1x64x128xf32, #tpu.memory_space<hbm>> -> memref<64x128xf32, #tpu.memory_space<hbm>>
    tpu.enqueue_dma source(%dma_start3A_78 : memref<64x128xf32, #tpu.memory_space<hbm>>) target(%arg8 : memref<64x128xf32, #tpu.memory_space<vmem>>) target_semaphore(%arg13 : memref<!tpu.dma_semaphore, #tpu.memory_space<semaphore_mem>>)
    %scan3A_79 = arith.constant 0 : i32
    %scan3A_80 = arith.constant 40 : i32
    %scan3A_81 = arith.addi %scan3A_79, %scan3A_80 : i32
    %scan3A_82 = arith.constant 1 : i32
    scf.for %scan3A_94 = %scan3A_79 to %scan3A_81 step %scan3A_82  : i32 {
      %mul3A_95 = arith.constant 4 : i32
      %mul3A_96 = arith.muli %scan3A_94, %mul3A_95 : i32
      %add3A_97 = arith.constant 0 : i32
      %add3A_98 = arith.addi %mul3A_96, %add3A_97 : i32
      %dma_wait3A_99 = arith.constant 0 : i32
      %dma_wait3A_100 = arith.constant 0 : i32
      %dma_wait3A_101 = tpu.memref_slice %arg3[%add3A, %dma_wait3A_99, %dma_wait3A_100] : memref<32x10240x128xf32, #tpu.memory_space<hbm>> -> memref<1x64x128xf32, #tpu.memory_space<hbm>>
      %dma_wait3A_102 = tpu.memref_squeeze %dma_wait3A_101 : memref<1x64x128xf32, #tpu.memory_space<hbm>> -> memref<64x128xf32, #tpu.memory_space<hbm>>
      %dma_wait3A_103 = arith.constant 0 : i32
      %dma_wait3A_104 = arith.constant 0 : i32
      %dma_wait3A_105 = tpu.memref_slice %arg3[%add3A, %dma_wait3A_103, %dma_wait3A_104] : memref<32x10240x128xf32, #tpu.memory_space<hbm>> -> memref<1x64x128xf32, #tpu.memory_space<hbm>>
      %dma_wait3A_106 = tpu.memref_squeeze %dma_wait3A_105 : memref<1x64x128xf32, #tpu.memory_space<hbm>> -> memref<64x128xf32, #tpu.memory_space<hbm>>
      tpu.wait_dma2 semaphore(%arg11 : memref<!tpu.dma_semaphore, #tpu.memory_space<semaphore_mem>>) src(%dma_wait3A_106 : memref<64x128xf32, #tpu.memory_space<hbm>>) dst(%arg6 : memref<64x128xf32, #tpu.memory_space<vmem>>)
      %gt3A = arith.constant 0 : i32
      %gt3A_107 = arith.cmpi sgt, %scan3A_94, %gt3A : i32
      %convert_element_type3A = arith.extui %gt3A_107 : i1 to i32
      %cond3A = arith.constant 0 : i32
      %cond3A_108 = arith.cmpi ne, %convert_element_type3A, %cond3A : i32
      scf.if %cond3A_108 {
        %dma_wait3A_212 = arith.constant 0 : i32
        %dma_wait3A_213 = tpu.memref_slice %arg5[%dma_wait3A_212] : memref<10240xi32, #tpu.memory_space<vmem>> -> memref<64xi32, #tpu.memory_space<vmem>>
        %dma_wait3A_214 = arith.constant 0 : i32
        %dma_wait3A_215 = arith.constant 0 : i32
        %dma_wait3A_216 = tpu.memref_slice %arg10[%dma_wait3A_214, %dma_wait3A_215] : memref<10112x128xf32, #tpu.memory_space<vmem_shared>> -> memref<10112x128xf32, #tpu.memory_space<vmem_shared>>
        tpu.wait_indirect_dma semaphore(%arg18 : memref<!tpu.dma_semaphore, #tpu.memory_space<semaphore_mem>>) src(%arg9 : memref<64x128xf32, #tpu.memory_space<vmem>>) dst(%dma_wait3A_216 : memref<10112x128xf32, #tpu.memory_space<vmem_shared>>)
      } else {
      }
      %mul3A_109 = arith.constant 64 : i32
      %mul3A_110 = arith.muli %add3A_98, %mul3A_109 : i32
      %dma_start3A_111 = tpu.memref_slice %arg5[%mul3A_110] : memref<10240xi32, #tpu.memory_space<vmem>> -> memref<64xi32, #tpu.memory_space<vmem>>
      %dma_start3A_112 = arith.constant 0 : i32
      %dma_start3A_113 = arith.constant 0 : i32
      %dma_start3A_114 = tpu.memref_slice %arg10[%dma_start3A_112, %dma_start3A_113] : memref<10112x128xf32, #tpu.memory_space<vmem_shared>> -> memref<10112x128xf32, #tpu.memory_space<vmem_shared>>
      tpu.enqueue_indirect_dma source(%arg6 : memref<64x128xf32, #tpu.memory_space<vmem>>) target(%dma_start3A_114 : memref<10112x128xf32, #tpu.memory_space<vmem_shared>>) offsets(%dma_start3A_111 : memref<64xi32, #tpu.memory_space<vmem>>) semaphore(%arg15 : memref<!tpu.dma_semaphore, #tpu.memory_space<semaphore_mem>>) {add = true}
      %add3A_115 = arith.constant 4 : i32
      %add3A_116 = arith.addi %add3A_98, %add3A_115 : i32
      %sub3A = arith.constant 1 : i32
      %sub3A_117 = arith.subi %add3A_116, %sub3A : i32
      %lt3A = arith.constant 160 : i32
      %lt3A_118 = arith.cmpi slt, %sub3A_117, %lt3A : i32
      %convert_element_type3A_119 = arith.extui %lt3A_118 : i1 to i32
      %cond3A_120 = arith.constant 0 : i32
      %cond3A_121 = arith.cmpi ne, %convert_element_type3A_119, %cond3A_120 : i32
      scf.if %cond3A_121 {
        %add3A_212 = arith.constant 4 : i32
        %add3A_213 = arith.addi %add3A_98, %add3A_212 : i32
        %sub3A_214 = arith.constant 1 : i32
        %sub3A_215 = arith.subi %add3A_213, %sub3A_214 : i32
        %mul3A_216 = arith.constant 64 : i32
        %mul3A_217 = arith.muli %sub3A_215, %mul3A_216 : i32
        %dma_start3A_218 = arith.constant 0 : i32
        %dma_start3A_219 = tpu.memref_slice %arg3[%add3A, %mul3A_217, %dma_start3A_218] : memref<32x10240x128xf32, #tpu.memory_space<hbm>> -> memref<1x64x128xf32, #tpu.memory_space<hbm>>
        %dma_start3A_220 = tpu.memref_squeeze %dma_start3A_219 : memref<1x64x128xf32, #tpu.memory_space<hbm>> -> memref<64x128xf32, #tpu.memory_space<hbm>>
        %dma_start3A_221 = arith.constant 0 : i32
        %dma_start3A_222 = tpu.memref_slice %arg3[%add3A, %mul3A_217, %dma_start3A_221] : memref<32x10240x128xf32, #tpu.memory_space<hbm>> -> memref<1x64x128xf32, #tpu.memory_space<hbm>>
        %dma_start3A_223 = tpu.memref_squeeze %dma_start3A_222 : memref<1x64x128xf32, #tpu.memory_space<hbm>> -> memref<64x128xf32, #tpu.memory_space<hbm>>
        tpu.enqueue_dma source(%dma_start3A_223 : memref<64x128xf32, #tpu.memory_space<hbm>>) target(%arg9 : memref<64x128xf32, #tpu.memory_space<vmem>>) target_semaphore(%arg14 : memref<!tpu.dma_semaphore, #tpu.memory_space<semaphore_mem>>)
      } else {
      }
      %add3A_122 = arith.constant 1 : i32
      %add3A_123 = arith.addi %mul3A_96, %add3A_122 : i32
      %dma_wait3A_124 = arith.constant 0 : i32
      %dma_wait3A_125 = arith.constant 0 : i32
      %dma_wait3A_126 = tpu.memref_slice %arg3[%add3A, %dma_wait3A_124, %dma_wait3A_125] : memref<32x10240x128xf32, #tpu.memory_space<hbm>> -> memref<1x64x128xf32, #tpu.memory_space<hbm>>
      %dma_wait3A_127 = tpu.memref_squeeze %dma_wait3A_126 : memref<1x64x128xf32, #tpu.memory_space<hbm>> -> memref<64x128xf32, #tpu.memory_space<hbm>>
      %dma_wait3A_128 = arith.constant 0 : i32
      %dma_wait3A_129 = arith.constant 0 : i32
      %dma_wait3A_130 = tpu.memref_slice %arg3[%add3A, %dma_wait3A_128, %dma_wait3A_129] : memref<32x10240x128xf32, #tpu.memory_space<hbm>> -> memref<1x64x128xf32, #tpu.memory_space<hbm>>
      %dma_wait3A_131 = tpu.memref_squeeze %dma_wait3A_130 : memref<1x64x128xf32, #tpu.memory_space<hbm>> -> memref<64x128xf32, #tpu.memory_space<hbm>>
      tpu.wait_dma2 semaphore(%arg12 : memref<!tpu.dma_semaphore, #tpu.memory_space<semaphore_mem>>) src(%dma_wait3A_131 : memref<64x128xf32, #tpu.memory_space<hbm>>) dst(%arg7 : memref<64x128xf32, #tpu.memory_space<vmem>>)
      %dma_wait3A_132 = arith.constant 0 : i32
      %dma_wait3A_133 = tpu.memref_slice %arg5[%dma_wait3A_132] : memref<10240xi32, #tpu.memory_space<vmem>> -> memref<64xi32, #tpu.memory_space<vmem>>
      %dma_wait3A_134 = arith.constant 0 : i32
      %dma_wait3A_135 = arith.constant 0 : i32
      %dma_wait3A_136 = tpu.memref_slice %arg10[%dma_wait3A_134, %dma_wait3A_135] : memref<10112x128xf32, #tpu.memory_space<vmem_shared>> -> memref<10112x128xf32, #tpu.memory_space<vmem_shared>>
      tpu.wait_indirect_dma semaphore(%arg15 : memref<!tpu.dma_semaphore, #tpu.memory_space<semaphore_mem>>) src(%arg6 : memref<64x128xf32, #tpu.memory_space<vmem>>) dst(%dma_wait3A_136 : memref<10112x128xf32, #tpu.memory_space<vmem_shared>>)
      %mul3A_137 = arith.constant 64 : i32
      %mul3A_138 = arith.muli %add3A_123, %mul3A_137 : i32
      %dma_start3A_139 = tpu.memref_slice %arg5[%mul3A_138] : memref<10240xi32, #tpu.memory_space<vmem>> -> memref<64xi32, #tpu.memory_space<vmem>>
      %dma_start3A_140 = arith.constant 0 : i32
      %dma_start3A_141 = arith.constant 0 : i32
      %dma_start3A_142 = tpu.memref_slice %arg10[%dma_start3A_140, %dma_start3A_141] : memref<10112x128xf32, #tpu.memory_space<vmem_shared>> -> memref<10112x128xf32, #tpu.memory_space<vmem_shared>>
      tpu.enqueue_indirect_dma source(%arg7 : memref<64x128xf32, #tpu.memory_space<vmem>>) target(%dma_start3A_142 : memref<10112x128xf32, #tpu.memory_space<vmem_shared>>) offsets(%dma_start3A_139 : memref<64xi32, #tpu.memory_space<vmem>>) semaphore(%arg16 : memref<!tpu.dma_semaphore, #tpu.memory_space<semaphore_mem>>) {add = true}
      %add3A_143 = arith.constant 4 : i32
      %add3A_144 = arith.addi %add3A_123, %add3A_143 : i32
      %sub3A_145 = arith.constant 1 : i32
      %sub3A_146 = arith.subi %add3A_144, %sub3A_145 : i32
      %lt3A_147 = arith.constant 160 : i32
      %lt3A_148 = arith.cmpi slt, %sub3A_146, %lt3A_147 : i32
      %convert_element_type3A_149 = arith.extui %lt3A_148 : i1 to i32
      %cond3A_150 = arith.constant 0 : i32
      %cond3A_151 = arith.cmpi ne, %convert_element_type3A_149, %cond3A_150 : i32
      scf.if %cond3A_151 {
        %add3A_212 = arith.constant 4 : i32
        %add3A_213 = arith.addi %add3A_123, %add3A_212 : i32
        %sub3A_214 = arith.constant 1 : i32
        %sub3A_215 = arith.subi %add3A_213, %sub3A_214 : i32
        %mul3A_216 = arith.constant 64 : i32
        %mul3A_217 = arith.muli %sub3A_215, %mul3A_216 : i32
        %dma_start3A_218 = arith.constant 0 : i32
        %dma_start3A_219 = tpu.memref_slice %arg3[%add3A, %mul3A_217, %dma_start3A_218] : memref<32x10240x128xf32, #tpu.memory_space<hbm>> -> memref<1x64x128xf32, #tpu.memory_space<hbm>>
        %dma_start3A_220 = tpu.memref_squeeze %dma_start3A_219 : memref<1x64x128xf32, #tpu.memory_space<hbm>> -> memref<64x128xf32, #tpu.memory_space<hbm>>
        %dma_start3A_221 = arith.constant 0 : i32
        %dma_start3A_222 = tpu.memref_slice %arg3[%add3A, %mul3A_217, %dma_start3A_221] : memref<32x10240x128xf32, #tpu.memory_space<hbm>> -> memref<1x64x128xf32, #tpu.memory_space<hbm>>
        %dma_start3A_223 = tpu.memref_squeeze %dma_start3A_222 : memref<1x64x128xf32, #tpu.memory_space<hbm>> -> memref<64x128xf32, #tpu.memory_space<hbm>>
        tpu.enqueue_dma source(%dma_start3A_223 : memref<64x128xf32, #tpu.memory_space<hbm>>) target(%arg6 : memref<64x128xf32, #tpu.memory_space<vmem>>) target_semaphore(%arg11 : memref<!tpu.dma_semaphore, #tpu.memory_space<semaphore_mem>>)
      } else {
      }
      %add3A_152 = arith.constant 2 : i32
      %add3A_153 = arith.addi %mul3A_96, %add3A_152 : i32
      %dma_wait3A_154 = arith.constant 0 : i32
      %dma_wait3A_155 = arith.constant 0 : i32
      %dma_wait3A_156 = tpu.memref_slice %arg3[%add3A, %dma_wait3A_154, %dma_wait3A_155] : memref<32x10240x128xf32, #tpu.memory_space<hbm>> -> memref<1x64x128xf32, #tpu.memory_space<hbm>>
      %dma_wait3A_157 = tpu.memref_squeeze %dma_wait3A_156 : memref<1x64x128xf32, #tpu.memory_space<hbm>> -> memref<64x128xf32, #tpu.memory_space<hbm>>
      %dma_wait3A_158 = arith.constant 0 : i32
      %dma_wait3A_159 = arith.constant 0 : i32
      %dma_wait3A_160 = tpu.memref_slice %arg3[%add3A, %dma_wait3A_158, %dma_wait3A_159] : memref<32x10240x128xf32, #tpu.memory_space<hbm>> -> memref<1x64x128xf32, #tpu.memory_space<hbm>>
      %dma_wait3A_161 = tpu.memref_squeeze %dma_wait3A_160 : memref<1x64x128xf32, #tpu.memory_space<hbm>> -> memref<64x128xf32, #tpu.memory_space<hbm>>
      tpu.wait_dma2 semaphore(%arg13 : memref<!tpu.dma_semaphore, #tpu.memory_space<semaphore_mem>>) src(%dma_wait3A_161 : memref<64x128xf32, #tpu.memory_space<hbm>>) dst(%arg8 : memref<64x128xf32, #tpu.memory_space<vmem>>)
      %dma_wait3A_162 = arith.constant 0 : i32
      %dma_wait3A_163 = tpu.memref_slice %arg5[%dma_wait3A_162] : memref<10240xi32, #tpu.memory_space<vmem>> -> memref<64xi32, #tpu.memory_space<vmem>>
      %dma_wait3A_164 = arith.constant 0 : i32
      %dma_wait3A_165 = arith.constant 0 : i32
      %dma_wait3A_166 = tpu.memref_slice %arg10[%dma_wait3A_164, %dma_wait3A_165] : memref<10112x128xf32, #tpu.memory_space<vmem_shared>> -> memref<10112x128xf32, #tpu.memory_space<vmem_shared>>
      tpu.wait_indirect_dma semaphore(%arg16 : memref<!tpu.dma_semaphore, #tpu.memory_space<semaphore_mem>>) src(%arg7 : memref<64x128xf32, #tpu.memory_space<vmem>>) dst(%dma_wait3A_166 : memref<10112x128xf32, #tpu.memory_space<vmem_shared>>)
      %mul3A_167 = arith.constant 64 : i32
      %mul3A_168 = arith.muli %add3A_153, %mul3A_167 : i32
      %dma_start3A_169 = tpu.memref_slice %arg5[%mul3A_168] : memref<10240xi32, #tpu.memory_space<vmem>> -> memref<64xi32, #tpu.memory_space<vmem>>
      %dma_start3A_170 = arith.constant 0 : i32
      %dma_start3A_171 = arith.constant 0 : i32
      %dma_start3A_172 = tpu.memref_slice %arg10[%dma_start3A_170, %dma_start3A_171] : memref<10112x128xf32, #tpu.memory_space<vmem_shared>> -> memref<10112x128xf32, #tpu.memory_space<vmem_shared>>
      tpu.enqueue_indirect_dma source(%arg8 : memref<64x128xf32, #tpu.memory_space<vmem>>) target(%dma_start3A_172 : memref<10112x128xf32, #tpu.memory_space<vmem_shared>>) offsets(%dma_start3A_169 : memref<64xi32, #tpu.memory_space<vmem>>) semaphore(%arg17 : memref<!tpu.dma_semaphore, #tpu.memory_space<semaphore_mem>>) {add = true}
      %add3A_173 = arith.constant 4 : i32
      %add3A_174 = arith.addi %add3A_153, %add3A_173 : i32
      %sub3A_175 = arith.constant 1 : i32
      %sub3A_176 = arith.subi %add3A_174, %sub3A_175 : i32
      %lt3A_177 = arith.constant 160 : i32
      %lt3A_178 = arith.cmpi slt, %sub3A_176, %lt3A_177 : i32
      %convert_element_type3A_179 = arith.extui %lt3A_178 : i1 to i32
      %cond3A_180 = arith.constant 0 : i32
      %cond3A_181 = arith.cmpi ne, %convert_element_type3A_179, %cond3A_180 : i32
      scf.if %cond3A_181 {
        %add3A_212 = arith.constant 4 : i32
        %add3A_213 = arith.addi %add3A_153, %add3A_212 : i32
        %sub3A_214 = arith.constant 1 : i32
        %sub3A_215 = arith.subi %add3A_213, %sub3A_214 : i32
        %mul3A_216 = arith.constant 64 : i32
        %mul3A_217 = arith.muli %sub3A_215, %mul3A_216 : i32
        %dma_start3A_218 = arith.constant 0 : i32
        %dma_start3A_219 = tpu.memref_slice %arg3[%add3A, %mul3A_217, %dma_start3A_218] : memref<32x10240x128xf32, #tpu.memory_space<hbm>> -> memref<1x64x128xf32, #tpu.memory_space<hbm>>
        %dma_start3A_220 = tpu.memref_squeeze %dma_start3A_219 : memref<1x64x128xf32, #tpu.memory_space<hbm>> -> memref<64x128xf32, #tpu.memory_space<hbm>>
        %dma_start3A_221 = arith.constant 0 : i32
        %dma_start3A_222 = tpu.memref_slice %arg3[%add3A, %mul3A_217, %dma_start3A_221] : memref<32x10240x128xf32, #tpu.memory_space<hbm>> -> memref<1x64x128xf32, #tpu.memory_space<hbm>>
        %dma_start3A_223 = tpu.memref_squeeze %dma_start3A_222 : memref<1x64x128xf32, #tpu.memory_space<hbm>> -> memref<64x128xf32, #tpu.memory_space<hbm>>
        tpu.enqueue_dma source(%dma_start3A_223 : memref<64x128xf32, #tpu.memory_space<hbm>>) target(%arg7 : memref<64x128xf32, #tpu.memory_space<vmem>>) target_semaphore(%arg12 : memref<!tpu.dma_semaphore, #tpu.memory_space<semaphore_mem>>)
      } else {
      }
      %add3A_182 = arith.constant 3 : i32
      %add3A_183 = arith.addi %mul3A_96, %add3A_182 : i32
      %dma_wait3A_184 = arith.constant 0 : i32
      %dma_wait3A_185 = arith.constant 0 : i32
      %dma_wait3A_186 = tpu.memref_slice %arg3[%add3A, %dma_wait3A_184, %dma_wait3A_185] : memref<32x10240x128xf32, #tpu.memory_space<hbm>> -> memref<1x64x128xf32, #tpu.memory_space<hbm>>
      %dma_wait3A_187 = tpu.memref_squeeze %dma_wait3A_186 : memref<1x64x128xf32, #tpu.memory_space<hbm>> -> memref<64x128xf32, #tpu.memory_space<hbm>>
      %dma_wait3A_188 = arith.constant 0 : i32
      %dma_wait3A_189 = arith.constant 0 : i32
      %dma_wait3A_190 = tpu.memref_slice %arg3[%add3A, %dma_wait3A_188, %dma_wait3A_189] : memref<32x10240x128xf32, #tpu.memory_space<hbm>> -> memref<1x64x128xf32, #tpu.memory_space<hbm>>
      %dma_wait3A_191 = tpu.memref_squeeze %dma_wait3A_190 : memref<1x64x128xf32, #tpu.memory_space<hbm>> -> memref<64x128xf32, #tpu.memory_space<hbm>>
      tpu.wait_dma2 semaphore(%arg14 : memref<!tpu.dma_semaphore, #tpu.memory_space<semaphore_mem>>) src(%dma_wait3A_191 : memref<64x128xf32, #tpu.memory_space<hbm>>) dst(%arg9 : memref<64x128xf32, #tpu.memory_space<vmem>>)
      %dma_wait3A_192 = arith.constant 0 : i32
      %dma_wait3A_193 = tpu.memref_slice %arg5[%dma_wait3A_192] : memref<10240xi32, #tpu.memory_space<vmem>> -> memref<64xi32, #tpu.memory_space<vmem>>
      %dma_wait3A_194 = arith.constant 0 : i32
      %dma_wait3A_195 = arith.constant 0 : i32
      %dma_wait3A_196 = tpu.memref_slice %arg10[%dma_wait3A_194, %dma_wait3A_195] : memref<10112x128xf32, #tpu.memory_space<vmem_shared>> -> memref<10112x128xf32, #tpu.memory_space<vmem_shared>>
      tpu.wait_indirect_dma semaphore(%arg17 : memref<!tpu.dma_semaphore, #tpu.memory_space<semaphore_mem>>) src(%arg8 : memref<64x128xf32, #tpu.memory_space<vmem>>) dst(%dma_wait3A_196 : memref<10112x128xf32, #tpu.memory_space<vmem_shared>>)
      %mul3A_197 = arith.constant 64 : i32
      %mul3A_198 = arith.muli %add3A_183, %mul3A_197 : i32
      %dma_start3A_199 = tpu.memref_slice %arg5[%mul3A_198] : memref<10240xi32, #tpu.memory_space<vmem>> -> memref<64xi32, #tpu.memory_space<vmem>>
      %dma_start3A_200 = arith.constant 0 : i32
      %dma_start3A_201 = arith.constant 0 : i32
      %dma_start3A_202 = tpu.memref_slice %arg10[%dma_start3A_200, %dma_start3A_201] : memref<10112x128xf32, #tpu.memory_space<vmem_shared>> -> memref<10112x128xf32, #tpu.memory_space<vmem_shared>>
      tpu.enqueue_indirect_dma source(%arg9 : memref<64x128xf32, #tpu.memory_space<vmem>>) target(%dma_start3A_202 : memref<10112x128xf32, #tpu.memory_space<vmem_shared>>) offsets(%dma_start3A_199 : memref<64xi32, #tpu.memory_space<vmem>>) semaphore(%arg18 : memref<!tpu.dma_semaphore, #tpu.memory_space<semaphore_mem>>) {add = true}
      %add3A_203 = arith.constant 4 : i32
      %add3A_204 = arith.addi %add3A_183, %add3A_203 : i32
      %sub3A_205 = arith.constant 1 : i32
      %sub3A_206 = arith.subi %add3A_204, %sub3A_205 : i32
      %lt3A_207 = arith.constant 160 : i32
      %lt3A_208 = arith.cmpi slt, %sub3A_206, %lt3A_207 : i32
      %convert_element_type3A_209 = arith.extui %lt3A_208 : i1 to i32
      %cond3A_210 = arith.constant 0 : i32
      %cond3A_211 = arith.cmpi ne, %convert_element_type3A_209, %cond3A_210 : i32
      scf.if %cond3A_211 {
        %add3A_212 = arith.constant 4 : i32
        %add3A_213 = arith.addi %add3A_183, %add3A_212 : i32
        %sub3A_214 = arith.constant 1 : i32
        %sub3A_215 = arith.subi %add3A_213, %sub3A_214 : i32
        %mul3A_216 = arith.constant 64 : i32
        %mul3A_217 = arith.muli %sub3A_215, %mul3A_216 : i32
        %dma_start3A_218 = arith.constant 0 : i32
        %dma_start3A_219 = tpu.memref_slice %arg3[%add3A, %mul3A_217, %dma_start3A_218] : memref<32x10240x128xf32, #tpu.memory_space<hbm>> -> memref<1x64x128xf32, #tpu.memory_space<hbm>>
        %dma_start3A_220 = tpu.memref_squeeze %dma_start3A_219 : memref<1x64x128xf32, #tpu.memory_space<hbm>> -> memref<64x128xf32, #tpu.memory_space<hbm>>
        %dma_start3A_221 = arith.constant 0 : i32
        %dma_start3A_222 = tpu.memref_slice %arg3[%add3A, %mul3A_217, %dma_start3A_221] : memref<32x10240x128xf32, #tpu.memory_space<hbm>> -> memref<1x64x128xf32, #tpu.memory_space<hbm>>
        %dma_start3A_223 = tpu.memref_squeeze %dma_start3A_222 : memref<1x64x128xf32, #tpu.memory_space<hbm>> -> memref<64x128xf32, #tpu.memory_space<hbm>>
        tpu.enqueue_dma source(%dma_start3A_223 : memref<64x128xf32, #tpu.memory_space<hbm>>) target(%arg8 : memref<64x128xf32, #tpu.memory_space<vmem>>) target_semaphore(%arg13 : memref<!tpu.dma_semaphore, #tpu.memory_space<semaphore_mem>>)
      } else {
      }
    }
    %scan3A_83 = arith.constant 40 : i32
    %dma_wait3A_84 = arith.constant 0 : i32
    %dma_wait3A_85 = tpu.memref_slice %arg5[%dma_wait3A_84] : memref<10240xi32, #tpu.memory_space<vmem>> -> memref<64xi32, #tpu.memory_space<vmem>>
    %dma_wait3A_86 = arith.constant 0 : i32
    %dma_wait3A_87 = arith.constant 0 : i32
    %dma_wait3A_88 = tpu.memref_slice %arg10[%dma_wait3A_86, %dma_wait3A_87] : memref<10112x128xf32, #tpu.memory_space<vmem_shared>> -> memref<10112x128xf32, #tpu.memory_space<vmem_shared>>
    tpu.wait_indirect_dma semaphore(%arg18 : memref<!tpu.dma_semaphore, #tpu.memory_space<semaphore_mem>>) src(%arg9 : memref<64x128xf32, #tpu.memory_space<vmem>>) dst(%dma_wait3A_88 : memref<10112x128xf32, #tpu.memory_space<vmem_shared>>)
    %barrier3A_89 = arith.constant 0 : index
    tpu.barrier barrier_id(%barrier3A_89)
    %mul3A_90 = arith.constant 632 : i32
    %mul3A_91 = arith.muli %arg1, %mul3A_90 : i32
    %mul3A_92 = arith.constant 632 : i32
    %mul3A_93 = arith.muli %arg1, %mul3A_92 : i32
    "tpu.region"() ({
      %run_scoped3A = tpu.sem_alloc : memref<!tpu.dma_semaphore, #tpu.memory_space<semaphore_mem>>
      %dma_start3A_94 = arith.constant 0 : i32
      %dma_start3A_95 = tpu.memref_slice %arg4[%arg0, %mul3A_93, %dma_start3A_94] : memref<2x10112x128xf32, #tpu.memory_space<hbm>> -> memref<1x632x128xf32, #tpu.memory_space<hbm>>
      %dma_start3A_96 = tpu.memref_squeeze %dma_start3A_95 : memref<1x632x128xf32, #tpu.memory_space<hbm>> -> memref<632x128xf32, #tpu.memory_space<hbm>>
      %dma_start3A_97 = arith.constant 0 : i32
      %dma_start3A_98 = tpu.memref_slice %arg10[%mul3A_91, %dma_start3A_97] : memref<10112x128xf32, #tpu.memory_space<vmem_shared>> -> memref<632x128xf32, #tpu.memory_space<vmem_shared>>
      tpu.enqueue_dma source(%dma_start3A_98 : memref<632x128xf32, #tpu.memory_space<vmem_shared>>) target(%dma_start3A_96 : memref<632x128xf32, #tpu.memory_space<hbm>>) target_semaphore(%run_scoped3A : memref<!tpu.dma_semaphore, #tpu.memory_space<semaphore_mem>>)
      %dma_wait3A_99 = arith.constant 0 : i32
      %dma_wait3A_100 = tpu.memref_slice %arg4[%arg0, %mul3A_93, %dma_wait3A_99] : memref<2x10112x128xf32, #tpu.memory_space<hbm>> -> memref<1x632x128xf32, #tpu.memory_space<hbm>>
      %dma_wait3A_101 = tpu.memref_squeeze %dma_wait3A_100 : memref<1x632x128xf32, #tpu.memory_space<hbm>> -> memref<632x128xf32, #tpu.memory_space<hbm>>
      %dma_wait3A_102 = arith.constant 0 : i32
      %dma_wait3A_103 = tpu.memref_slice %arg10[%mul3A_91, %dma_wait3A_102] : memref<10112x128xf32, #tpu.memory_space<vmem_shared>> -> memref<632x128xf32, #tpu.memory_space<vmem_shared>>
      tpu.wait_dma2 semaphore(%run_scoped3A : memref<!tpu.dma_semaphore, #tpu.memory_space<semaphore_mem>>) src(%dma_wait3A_103 : memref<632x128xf32, #tpu.memory_space<vmem_shared>>) dst(%dma_wait3A_101 : memref<632x128xf32, #tpu.memory_space<hbm>>)
      tpu.yield
    }) : () -> ()
    return
  }
}

module attributes {stable_mosaic.version = 14 : i64} {
  func.func @_tc_dense_kernel(%arg0: i32, %arg1: memref<2x2000x128xf32, #tpu.memory_space<vmem>>, %arg2: memref<2000x128xf32, #tpu.memory_space<vmem>>, %arg3: memref<128x128xf32, #tpu.memory_space<vmem>>, %arg4: memref<128x128xf32, #tpu.memory_space<vmem>>, %arg5: memref<1x128xf32, #tpu.memory_space<vmem>>, %arg6: memref<2000x128xf32, #tpu.memory_space<vmem>>) attributes {dimension_semantics = [#tpu.dimension_semantics<arbitrary>], iteration_bounds = array<i64: 5>, scalar_prefetch = 0 : i64, scratch_operands = 0 : i64, tpu.core_type = #tpu.core_type<tc>, window_params = [{transform_indices = @transform_0, window_bounds = array<i64: 2, 2000, 128>}, {transform_indices = @transform_1, window_bounds = array<i64: 2000, 128>}, {pipeline_mode = #tpu.pipeline_mode<synchronous>, transform_indices = @transform_2, window_bounds = array<i64: 128, 128>}, {pipeline_mode = #tpu.pipeline_mode<synchronous>, transform_indices = @transform_3, window_bounds = array<i64: 128, 128>}, {pipeline_mode = #tpu.pipeline_mode<synchronous>, transform_indices = @transform_4, window_bounds = array<i64: 1, 128>}, {transform_indices = @transform_5, window_bounds = array<i64: 2000, 128>}]} {
    %get3A = arith.constant 0 : index
    %get3A_0 = arith.constant 0 : index
    %get3A_1 = arith.constant 0 : index
    %get3A_2 = vector.load %arg1[%get3A, %get3A_0, %get3A_1] : memref<2x2000x128xf32, #tpu.memory_space<vmem>>, vector<1x2000x128xf32>
    %get3A_3 = vector.shape_cast %get3A_2 : vector<1x2000x128xf32> to vector<2000x128xf32>
    %get3A_4 = arith.constant 1 : index
    %get3A_5 = arith.constant 0 : index
    %get3A_6 = arith.constant 0 : index
    %get3A_7 = vector.load %arg1[%get3A_4, %get3A_5, %get3A_6] : memref<2x2000x128xf32, #tpu.memory_space<vmem>>, vector<1x2000x128xf32>
    %get3A_8 = vector.shape_cast %get3A_7 : vector<1x2000x128xf32> to vector<2000x128xf32>
    %add3A = arith.addf %get3A_3, %get3A_8 : vector<2000x128xf32>
    %get3A_9 = arith.constant 0 : index
    %get3A_10 = arith.constant 0 : index
    %get3A_11 = vector.load %arg3[%get3A_9, %get3A_10] : memref<128x128xf32, #tpu.memory_space<vmem>>, vector<128x128xf32>
    %dot_general3A = arith.constant dense<0.000000e+00> : vector<2000x128xf32>
    %dot_general3A_12 = tpu.matmul %add3A, %get3A_11, %dot_general3A {dimension_numbers = #tpu.dot_dimension_numbers<[1], [0], [0], [1], [0, 0, 1, 1], [], []>, transpose_lhs_hint = false} : vector<2000x128xf32>, vector<128x128xf32>, vector<2000x128xf32> -> vector<2000x128xf32>
    %get3A_13 = arith.constant 0 : index
    %get3A_14 = arith.constant 0 : index
    %get3A_15 = vector.load %arg2[%get3A_13, %get3A_14] : memref<2000x128xf32, #tpu.memory_space<vmem>>, vector<2000x128xf32>
    %get3A_16 = arith.constant 0 : index
    %get3A_17 = arith.constant 0 : index
    %get3A_18 = vector.load %arg4[%get3A_16, %get3A_17] : memref<128x128xf32, #tpu.memory_space<vmem>>, vector<128x128xf32>
    %dot_general3A_19 = arith.constant dense<0.000000e+00> : vector<2000x128xf32>
    %dot_general3A_20 = tpu.matmul %get3A_15, %get3A_18, %dot_general3A_19 {dimension_numbers = #tpu.dot_dimension_numbers<[1], [0], [0], [1], [0, 0, 1, 1], [], []>, transpose_lhs_hint = false} : vector<2000x128xf32>, vector<128x128xf32>, vector<2000x128xf32> -> vector<2000x128xf32>
    %add3A_21 = arith.addf %dot_general3A_12, %dot_general3A_20 : vector<2000x128xf32>
    %get3A_22 = arith.constant 0 : index
    %get3A_23 = arith.constant 0 : index
    %get3A_24 = vector.load %arg5[%get3A_22, %get3A_23] : memref<1x128xf32, #tpu.memory_space<vmem>>, vector<1x128xf32>
    %add3A_25 = vector.broadcast %get3A_24 : vector<1x128xf32> to vector<2000x128xf32>
    %add3A_26 = arith.addf %add3A_21, %add3A_25 : vector<2000x128xf32>
    %max3A = arith.constant 0.000000e+00 : f32
    %max3A_27 = vector.broadcast %max3A : f32 to vector<2000x128xf32>
    %max3A_28 = arith.maximumf %add3A_26, %max3A_27 : vector<2000x128xf32>
    %swap3A = arith.constant 0 : index
    %swap3A_29 = arith.constant 0 : index
    %swap3A_30 = vector.load %arg6[%swap3A, %swap3A_29] : memref<2000x128xf32, #tpu.memory_space<vmem>>, vector<2000x128xf32>
    tpu.vector_store %arg6[%swap3A, %swap3A_29], %max3A_28 {strides = array<i32>} : memref<2000x128xf32, #tpu.memory_space<vmem>>, vector<2000x128xf32>,
    return
  }
  func.func @transform_0(%arg0: i32) -> (i32, i32, i32) {
    %c0_i32 = arith.constant 0 : i32
    %c0_i32_0 = arith.constant 0 : i32
    %c0_i32_1 = arith.constant 0 : i32
    return %c0_i32, %arg0, %c0_i32_0 : i32, i32, i32
  }
  func.func @transform_1(%arg0: i32) -> (i32, i32) {
    %c0_i32 = arith.constant 0 : i32
    %c0_i32_0 = arith.constant 0 : i32
    return %arg0, %c0_i32 : i32, i32
  }
  func.func @transform_2(%arg0: i32) -> (i32, i32) {
    %c0_i32 = arith.constant 0 : i32
    %c0_i32_0 = arith.constant 0 : i32
    %c0_i32_1 = arith.constant 0 : i32
    return %c0_i32, %c0_i32_0 : i32, i32
  }
  func.func @transform_3(%arg0: i32) -> (i32, i32) {
    %c0_i32 = arith.constant 0 : i32
    %c0_i32_0 = arith.constant 0 : i32
    %c0_i32_1 = arith.constant 0 : i32
    return %c0_i32, %c0_i32_0 : i32, i32
  }
  func.func @transform_4(%arg0: i32) -> (i32, i32) {
    %c0_i32 = arith.constant 0 : i32
    %c0_i32_0 = arith.constant 0 : i32
    %c0_i32_1 = arith.constant 0 : i32
    return %c0_i32, %c0_i32_0 : i32, i32
  }
  func.func @transform_5(%arg0: i32) -> (i32, i32) {
    %c0_i32 = arith.constant 0 : i32
    %c0_i32_0 = arith.constant 0 : i32
    return %arg0, %c0_i32 : i32, i32
  }
}

</mosaic_0001>

<sc_bundles>
// kernel: kernel.5.cloned.1.call-start
scs
__scs_entry_jumppad:
0x0: {  	(pc) =	sbr.rel $0x88, $3  }
0x1: {  	(tag) =	ssettag $0x0;
	lr =	simm.s32 $0x1  }
0x2: {  	[smem:$0x3F9C] =	sst lr;
	_ =	strace $0xD0000000  }
0x3: {  	_ = 	snop  }
0x4: {  	_ = 	snop  }
0x5: {  	_ = 	snop  }
0x6: {  	_ = 	snop  }
0x7: {  	_ = 	snop  }
__scs_overlays_trampoline_lowered:
0x8: {  	[smem:$0x3FAB] =	sst s0  }
0x9: {  	[smem:$0x3FAC] =	sst s1  }
0xa: {  	[smem:$0x3FAD] =	sst s2  }
0xb: {  	[smem:$0x3FAE] =	sst s3  }
0xc: {  	[smem:$0x3FAF] =	sst s4  }
0xd: {  	[smem:$0x3FB0] =	sst s5  }
0xe: {  	[smem:$0x3FB1] =	sst s6  }
0xf: {  	[smem:$0x3FB2] =	sst s7  }
0x10: {  	[smem:$0x3FB3] =	sst s8  }
0x11: {  	[smem:$0x3FB4] =	sst s9;
	s0 =	simm.s32 @!p0 $0x0  }
0x12: {  	s1 =	sld [smem:$0x3F9A];
	s0 =	simm.s32 @p0 $0x1  }
0x13: {  	[smem:$0x3FB5] =	sst s0;
	s0 =	simm.s32 @!p1 $0x0  }
0x14: {  	s2 =	sld [smem:$0x3F99];
	s0 =	simm.s32 @p1 $0x1  }
0x15: {  	[smem:$0x3FB6] =	sst s0;
	s0 =	simm.s32 @!p2 $0x0  }
0x16: {  	s3 =	sld [smem:$0x3FDB];
	s0 =	simm.s32 @p2 $0x1  }
0x17: {  	s4 =	simm.s32 $0x1BF5;
	[smem:$0x3FB8] =	sst s0  }
0x18: {  	s0 =	sld [smem:$0x3F9B];
	_ =	swait.ge [sflag:s4], $0x0  }
0x19: {  	s7 =	sld [smem:$0x3F9C]  }
0x1a: {  	s8 =	sadd.s32 $0xFFFFE003, lr  }
0x1b: {  	s9 =	sadd.s32 $0xFFFFFEF7, lr;
	s5 =	simm.s32 $0xFFFFFFFF;
	p2 =	slt.u32 s8, $0xFFFFF086  }
0x1c: {  	p1 =	slt.u32 s9, $0xF7A;
	s5 =	simm.s32 @!p2 $0x0  }
0x1d: {  	s5 =	simm.s32 @p1 $0x1;
	p0 =	seq.s32 s7, s2  }
0x1e: {  	s7 =	smul.u32 @!p0 $0xF7A, s2;
	p2 =	seq.s32 @!p0 s5, $0x0  }
0x1f: {  	s9 =	smul.u32 $0xF7A, s1;
	s8 =	simm.s32 @!p0 $0x1BF5;
	p2 =	por !p2, p0  }
0x20: {  	[sflag:s8] =	ssyncset.s32 @!p0 $0xFFFFF086;
	s6 =	sadd.s32 @!p0 s3, s7;
	s7 =	simm.s32 @!p0 $0x108  }
0x21: {  	s3 =	sadd.s32 s3, s9;
	s6 =	sadd.s32 @!p0 $0x88, s6;
	s7 =	simm.s32 @p2 $0x1082  }
0x22: {  	[simem:s7], [sflag:s8] =	dma.local @!p0 [hbm:s6], $0xF7A  }
0x23: {  	s9 =	sor.u32 $0xD0000000, s2;
	s6 =	simm.s32 $0x108;
	_ =	swait.ge @!p0 [sflag:s8], $0x0  }
0x24: {  	s3 =	sadd.s32 $0x88, s3;
	s6 =	simm.s32 @!p1 $0x1082;
	[sflag:s4] =	ssyncset.s32 $0xFFFFF086  }
0x25: {  	[simem:s6], [sflag:s4] =	dma.local [hbm:s3], $0xF7A  }
0x26: {  	[smem:$0x3F9C] =	sst s1;
	(tag) =	ssettag s2;
	_ =	strace s9  }
0x27: {  	s1 =	sld [smem:$0x3FAC]  }
0x28: {  	s2 =	sld [smem:$0x3FAD]  }
0x29: {  	s4 =	sld [smem:$0x3FAF]  }
0x2a: {  	p0 =	seq.s32 s5, $0x0;
	s5 =	sld [smem:$0x3FB0]  }
0x2b: {  	s6 =	sld [smem:$0x3FB1]  }
0x2c: {  	s7 =	sld [smem:$0x3FB2]  }
0x2d: {  	s3 =	simm.s32 $0x108;
	s8 =	sld [smem:$0x3FB3]  }
0x2e: {  	s3 =	simm.s32 @!p0 $0x1082;
	s9 =	sld [smem:$0x3FB4]  }
0x2f: {  	lr =	sadd.s32 s0, s3;
	s0 =	sld [smem:$0x3FAB]  }
0x30: {  	s3 =	sld [smem:$0x3FAE]  }
0x31: {  	[smem:$0x3FB7] =	sst s10  }
0x32: {  	s10 =	sld [smem:$0x3FB5];
	_ =	sdelay $0x3  }
0x33: {  	p0 =	seq.s32 s10, $0x1;
	s10 =	sld [smem:$0x3FB7];
	_ =	sdelay $0x3  }
0x34: {  	[smem:$0x3FB7] =	sst s10  }
0x35: {  	s10 =	sld [smem:$0x3FB6];
	_ =	sdelay $0x3  }
0x36: {  	p1 =	seq.s32 s10, $0x1;
	s10 =	sld [smem:$0x3FB7];
	_ =	sdelay $0x3  }
0x37: {  	[smem:$0x3FB7] =	sst s10  }
0x38: {  	s10 =	sld [smem:$0x3FB8]  }
0x39: {  	_ = 	snop;
	(pc) =	sbr.ind lr, $3  }
0x3a: {  	_ = 	snop  }
0x3b: {  	_ = 	snop  }
0x3c: {  	p2 =	seq.s32 s10, $0x1;
	s10 =	sld [smem:$0x3FB7]  }
0x3d: {  	_ =	shalt  }
0x3e: {  	_ =	shalt  }
0x3f: {  	_ =	shalt  }
0x40: {  	_ =	shalt  }
0x41: {  	_ =	shalt  }
0x42: {  	_ =	shalt  }
0x43: {  	_ =	shalt  }
0x44: {  	_ =	shalt  }
0x45: {  	_ =	shalt  }
0x46: {  	_ =	shalt  }
0x47: {  	_ =	shalt  }
0x48: {  	_ =	shalt  }
0x49: {  	_ =	shalt  }
0x4a: {  	_ =	shalt  }
0x4b: {  	_ =	shalt  }
0x4c: {  	_ =	shalt  }
0x4d: {  	_ =	shalt  }
0x4e: {  	_ =	shalt  }
0x4f: {  	_ =	shalt  }
0x50: {  	_ =	shalt  }
0x51: {  	_ =	shalt  }
0x52: {  	_ =	shalt  }
0x53: {  	_ =	shalt  }
0x54: {  	_ =	shalt  }
0x55: {  	_ =	shalt  }
0x56: {  	_ =	shalt  }
0x57: {  	_ =	shalt  }
0x58: {  	_ =	shalt  }
0x59: {  	_ =	shalt  }
0x5a: {  	_ =	shalt  }
0x5b: {  	_ =	shalt  }
0x5c: {  	_ =	shalt  }
0x5d: {  	_ =	shalt  }
0x5e: {  	_ =	shalt  }
0x5f: {  	_ =	shalt  }
0x60: {  	_ =	shalt  }
0x61: {  	_ =	shalt  }
0x62: {  	_ =	shalt  }
0x63: {  	_ =	shalt  }
0x64: {  	_ =	shalt  }
0x65: {  	_ =	shalt  }
0x66: {  	_ =	shalt  }
0x67: {  	_ =	shalt  }
0x68: {  	_ =	shalt  }
0x69: {  	_ =	shalt  }
0x6a: {  	_ =	shalt  }
0x6b: {  	_ =	shalt  }
0x6c: {  	_ =	shalt  }
0x6d: {  	_ =	shalt  }
0x6e: {  	_ =	shalt  }
0x6f: {  	_ =	shalt  }
0x70: {  	_ =	shalt  }
0x71: {  	_ =	shalt  }
0x72: {  	_ =	shalt  }
0x73: {  	_ =	shalt  }
0x74: {  	_ =	shalt  }
0x75: {  	_ =	shalt  }
0x76: {  	_ =	shalt  }
0x77: {  	_ =	shalt  }
0x78: {  	_ =	shalt  }
0x79: {  	_ =	shalt  }
0x7a: {  	_ =	shalt  }
0x7b: {  	_ =	shalt  }
0x7c: {  	_ =	shalt  }
0x7d: {  	_ =	shalt  }
0x7e: {  	_ =	shalt  }
0x7f: {  	_ =	shalt  }
0x80: {  	_ =	shalt  }
0x81: {  	_ =	shalt  }
0x82: {  	_ =	shalt  }
0x83: {  	_ =	shalt  }
0x84: {  	_ =	shalt  }
0x85: {  	_ =	shalt  }
0x86: {  	_ =	shalt  }
0x87: {  	_ =	shalt  }
.Lfunc_end0:
.L_simem_size_0:
called_computation_lowered:
.L_overlay_start_0:
0x88: {  	s2 =	sld [smem:$0x3FD9]  }
0x89: {  	s3 =	sld [smem:$0x3FFE];
	_ =	sdelay $0x1  }
0x8a: {  	s1 =	srdreg.scid  }
0x8b: {  	s0 =	sand.u32 $0x1, s1  }
0x8c: {  	s17 =	sshll.u32 s0, $0xA;
	s2 =	sadd.s32 s3, s2  }
0x8d: {  	s2 =	sadd.s32 s2, s17  }
0x8e: {  	[smem:$0x3FC3] =	sst s2  }
0x8f: {  	_ = 	snop  }
0x90: {  	s2 =	sld [smem:$0x3FC9];
	(tm) =	ssettm $0x1  }
0x91: {  	s18 =	sld [smem:$0x3FFB];
	_ =	sdelay $0x3  }
0x92: {  	_ =	strace s18  }
0x93: {  	s3 =	sld [smem:$0x3FFC];
	_ =	sdelay $0x3  }
0x94: {  	_ =	strace s3  }
0x95: {  	s3 =	sld [smem:$0x3FFD];
	_ =	sdelay $0x3  }
0x96: {  	_ =	strace s3  }
0x97: {  	_ =	strace $0x8FFFFFFF  }
0x98: {  	s19 =	sld [smem:$0x3FDB];
	_ =	sdelay $0x1  }
0x99: {  	s4 =	simm.s32 $_scs_section_size  }
0x9a: {  	s5 =	simm.s32 $_size__tile_overlayer_lowered;
	s6 =	simm.s32 $_tile_overlayer_lowered  }
0x9b: {  	s22 =	simm.s32 $0x1BFF;
	s21 =	sshll.u32 s6, $0x1;
	s3 =	sadd.s32 s4, s19  }
0x9c: {  	s7 =	simm.s32 $0x0;
	s20 =	sshll.u32 s5, $0x1;
	s5 =	sadd.s32 s21, s3  }
0x9d: {  	[timem:s7], [sflag:s22] =	dma.local [hbm:s5], s20  }
0x9e: {  	_ =	swait.ge [sflag:s22], s20  }
0x9f: {  	s4 =	ssub.s32 $0x0, s20;
	[sflag:s22] =	ssyncset.done $0x0  }
0xa0: {  	[sflag:s22] =	ssyncadd.s32 s4;
	_ =	sdelay $0x1  }
0xa1: {  	s23 =	simm.s32 $0x1B8B  }
0xa2: {  	_ =	swait.ge [sflag:s23], $0x1  }
0xa3: {  	[sflag:s23] =	ssyncset.done $0x0  }
0xa4: {  	s25 =	simm.s32 $0x1B8E;
	s24 =	sld [smem:$0x3FFE];
	[sflag:s23] =	ssyncadd.s32 $0xFFFFFFFF  }
0xa5: {  	s26 =	simm.s32 $execute0_lowered;
	[smem:$0x3FD2] =	sst s25  }
0xa6: {  	s5 =	sshll.u32 s26, $0x1;
	_ =	strace $0x80000046;
	[dreg:$0x1] =	wrdreg $0xFFFFFFFF  }
0xa7: {  	s28 =	simm.s32 $_size_execute0_lowered;
	s3 =	sadd.s32 s3, s5;
	[dreg:$0x0] =	wrdreg $0x0  }
0xa8: {  	s5 =	sshll.u32 s28, $0x1;
	[dreg:$0x2] =	wrdreg s3  }
0xa9: {  	[dreg:$0x3] =	wrdreg s5  }
0xaa: {  	[dreg:$0x4] =	wrdreg $0xC0  }
0xab: {  	_ =	task [dreg:s7], $0x5FFFF  }
0xac: {  	[dreg:$0x1] =	wrdreg $0xFFFFFFFF  }
0xad: {  	[dreg:$0x0] =	wrdreg $0x60  }
0xae: {  	[dreg:$0x2] =	wrdreg s24  }
0xaf: {  	[dreg:$0x3] =	wrdreg s2  }
0xb0: {  	[dreg:$0x4] =	wrdreg $0xA8000  }
0xb1: {  	[dreg:$0x5] =	wrdreg $0x9  }
0xb2: {  	_ =	task.clear_ibuf [dreg:s7], $0x6FFFF;
	_ =	strace $0x90000046  }
0xb3: {  	s29 =	simm.s32 $0x9;
	_ =	strace $0x80000048  }
0xb4: {  	_ =	swait.ge [sflag:s29], $0x1  }
0xb5: {  	[sflag:s29] =	ssyncadd.s32 $0xFFFFFFFF  }
0xb6: {  	_ =	strace $0x90000048  }
0xb7: {  	_ =	sfence  }
0xb8: {  	s30 =	sld [smem:$0x0];
	_ =	sdelay $0x2  }
0xb9: {  	s31 =	sshll.u32 s1, $0xD;
	s1 =	sshrl.u32 s1, $0x2  }
0xba: {  	s3 =	sand.u32 $0x4000, s31;
	s1 =	sadd.s32 s1, s30  }
0xbb: {  	s0 =	sor.u32 s3, s0;
	s1 =	sshll.u32 s1, $0x11  }
0xbc: {  	s0 =	sor.u32 s1, s0  }
0xbd: {  	s0 =	sadd.s32 $0x8F2B, s0  }
0xbe: {  	[sflag:s0] =	ssyncadd.remote.s32 $0x1  }
0xbf: {  	_ =	sfence.sel $0xFFFF  }
0xc0: {  	[dreg:$0x0] =	wrdreg $0xFFFFFFFF;
	(pc) =	sbr.abs _section_cstart, $3  }
0xc1: {  	[dreg:$0x1] =	wrdreg $0xFFFFFFFF  }
0xc2: {  	_ =	task.clear_ibuf [dreg:s7], $0x2FFFF;
	_ =	strace $0x9FFFFFFF  }
0xc3: {  	(tm) =	ssettm $0x7FFFFFFF  }
tec
execute0_lowered:
.L_overlay_start_1:
0x0: {  	(tag) =	ssettag $0x1  }
0x1: {  	s4 =	rddreg [dreg:$0x0]  }
0x2: {  	s0 =	srdreg.scid;
	s5 =	rddreg [dreg:$0x1]  }
0x3: {  	s11 =	stileid.u32;
	s2 =	rddreg [dreg:$0x2]  }
0x4: {  	s28 =	simm.s32 $0x8800;
	s29 =	simm.s32 $0x2;
	s9 =	smul.u32 $0x4E000, s11  }
0x5: {  	s30 =	simm.s32 $0x5;
	s31 =	simm.s32 $0x7;
	s26 =	smul.u32 $0x2700, s11  }
0x6: {  	s0 =	sand.u32 $0x1, s0;
	s7 =	sshll.u32 s11, $0x7;
	s14 =	smul.u32 $0x140000, s11  }
0x7: {  	p0 =	seq.s32 s11, $0xF;
	s1 =	sshll.u32 s0, $0x4;
	s7 =	sand.u32 $0x380, s7  }
0x8: {  	s25 =	ssub.s32 $0x2, s0;
	s0 =	smul.u32 $0x1400000, s0;
	s1 =	sor.u32 s11, s1  }
0x9: {  	s8 =	sshrl.u32 s25, $0x1;
	s12 =	sshrl.u32 s9, $0x2;
	s13 =	sadd.s32 s5, s26  }
0xa: {  	s5 =	sadd.s32 $0x24900, s5;
	s3 =	sshrl.u32 s1, $0x3;
	s1 =	smul.u32 $0x140000, s1  }
0xb: {  	s10 =	sadd.s32 s12, s2;
	s0 =	sadd.s32 s14, s0;
	s6 =	smul.u32 $0x14000, s3  }
0xc: {  	s3 =	simm.s32 $0x0;
	s20 =	sor.u32 $0xC000, s0;
	s24 =	sor.u32 $0xA000, s0  }
0xd: {  	[smem:$0x7FF] =	sst s3;
	s15 =	sor.u32 $0x2000, s1;
	s16 =	sor.u32 $0x4000, s1  }
0xe: {  	s1 =	sshrl.u32 s1, $0x3;
	s22 =	sshrl.u32 s20, $0x3;
	s20 =	sshrl.u32 @!p0 s10, $0x3  }
0xf: {  	s6 =	sor.u32 s7, s6;
	_ =	strace $0x80000047;
	[dreg:$0x5] =	wrdreg s13  }
0x10: {  	s7 =	ssub.s32 s25, s8;
	s8 =	sadd.s32 $0x124800, s2;
	[dreg:$0x6] =	wrdreg s5  }
0x11: {  	s18 =	sshrl.u32 s15, $0x3;
	s19 =	sshrl.u32 s16, $0x3;
	s25 =	sor.u32 $0x8000, s0  }
0x12: {  	s0 =	sor.u32 $0xE000, s0;
	s6 =	sshrl.u32 s6, $0x3;
	s7 =	smax.u32 s7, $0x1  }
0x13: {  	s26 =	sshrl.u32 s25, $0x3;
	s0 =	sshrl.u32 s0, $0x3;
	s6 =	sadd.s32 s6, s4  }
0x14: {  	s4 =	sadd.s32 $0xAC00, s4;
	[dreg:$0x7] =	wrdreg s7;
	s6 =	sadd.s32 $0xC00, s6  }
0x15: {  	s17 =	sadd.s32 s4, s1;
	s1 =	sadd.s32 s4, s18;
	[dreg:$0x4] =	wrdreg s6  }
0x16: {  	s25 =	simm.s32 $0x6800;
	s21 =	sadd.s32 s4, s19;
	[dreg:$0x9] =	wrdreg s1  }
0x17: {  	s5 =	sadd.s32 s0, s4;
	s0 =	sshll.u32 @!p0 s11, $0x6;
	[dreg:$0xa] =	wrdreg s21  }
0x18: {  	s18 =	sshrl.u32 @p0 s8, $0x3;
	[dreg:$0x8] =	wrdreg s17;
	s23 =	sadd.s32 $0xC00, s17  }
0x19: {  	s1 =	sadd.s32 s22, s4;
	s6 =	sadd.s32 s26, s4;
	s19 =	sor.u32 @!p0 $0x1C02, s0  }
.Ltmp0:
0x1a: {  	s21 =	simm.s32 $0x1;
	s22 =	simm.s32 $0x40;
	(pc) =	sbr.rel .LBB2_1-.Ltmp0, $4  }
0x1b: {  	s0 =	simm.s32 $0x6;
	s26 =	simm.s32 $0x4;
	[dreg:$0xb] =	wrdreg s23  }
0x1c: {  	s17 =	simm.s32 $0x8;
	[dreg:$0xc] =	wrdreg s1;
	s1 =	sshrl.u32 s24, $0x3  }
0x1d: {  	s23 =	simm.s32 $0x2800;
	s24 =	simm.s32 $0x4800;
	s1 =	sadd.s32 s1, s4  }
0x1e: {  	s4 =	simm.s32 $0x0;
	[dreg:$0xd] =	wrdreg s1;
	s1 =	simm.s32 $0x3  }
.LBB2_4:
0x1f: {  	_ =	swait.ge [sflag:s17], $0x2000  }
0x20: {  	s4 =	sadd.s32 $0x1, s4;
	s7 =	rddreg [dreg:$0x7]  }
0x21: {  	p1 =	sne.s32 s4, s7  }
.Ltmp1:
0x22: {  	_ = 	snop;
	(pc) =	sbr.rel @!p1 .LBB2_5-.Ltmp1, $3  }
0x23: {  	_ =	sdelay $0x1  }
0x24: {  	[sflag:s17] =	ssyncset.done $0x0  }
0x25: {  	[sflag:s17] =	ssyncadd.s32 $0xFFFFE000  }
.LBB2_1:
0x26: {  	s7 =	rddreg [dreg:$0x4];
	s9 =	simm.s32 $0x80;
	s8 =	simm.s32 $0x400  }
0x27: {  	[tilespmem:s3], [sflag:$0x1] =	stream.strided.gather [hbm4b:s7+s9], $0x2800, s8, s9, $0x38;
	[tilespmem:$0x1E080] =	vst v63  }
0x28: {  	s8 =	simm.s32 @p0 $0x1FC2;
	s7 =	rddreg [dreg:$0x6]  }
0x29: {  	[spmem:s18], [sflag:s8] =	dma.local @p0 [hbm:s7], $0x2800  }
0x2a: {  	s8 =	simm.s32 @p0 $0x2  }
0x2b: {  	_ =	swait.ge @p0 [sflag:s8], $0x2800  }
0x2c: {  	[sflag:s8] =	ssyncset.done @p0 $0x0  }
0x2d: {  	s7 =	rddreg [dreg:$0x5];
	[sflag:s8] =	ssyncadd.s32 @p0 $0xFFFFD800;
	s8 =	simm.s32 @!p0 $0x2  }
0x2e: {  	[spmem:s20], [sflag:s19] =	dma.local @!p0 [hbm:s7], $0x2700  }
0x2f: {  	_ =	swait.ge @!p0 [sflag:s8], $0x2700  }
0x30: {  	[sflag:s8] =	ssyncset.done @!p0 $0x0  }
0x31: {  	[sflag:s8] =	ssyncadd.s32 @!p0 $0xFFFFD900  }
0x32: {  	_ =	swait.ge [sflag:s21], $0x2800  }
0x33: {  	[sflag:s21] =	ssyncset.done $0x0  }
0x34: {  	[sflag:s21] =	ssyncadd.s32 $0xFFFFD800  }
0x35: {  	[bflag:$0x0] =	sbarrier.arrive $0xFFFF  }
0x36: {  	[tilespmem:s23], [sflag:$0x1] =	stream.indirect.gather [spmem:s2], $0x80, s3, s22, $0xb8;
	[tilespmem:$0x1E080] =	vst v63  }
0x37: {  	_ = 	snop  }
0x38: {  	[tilespmem:s24], [sflag:$0x2] =	stream.indirect.gather [spmem:s2], $0x80, s22, s22, $0xb8;
	[tilespmem:$0x1E080] =	vst v63  }
0x39: {  	_ = 	snop  }
0x3a: {  	[tilespmem:s25], [sflag:$0x3] =	stream.indirect.gather [spmem:s2], $0x80, s9, s22, $0xb8;
	[tilespmem:$0x1E080] =	vst v63  }
0x3b: {  	_ =	swait.ge [sflag:s21], $0x2000  }
0x3c: {  	[sflag:s21] =	ssyncset.done $0x0  }
0x3d: {  	s9 =	rddreg [dreg:$0x8];
	[sflag:s21] =	ssyncadd.s32 $0xFFFFE000  }
0x3e: {  	[hbm4b:s9+s3] =	stream.linear.scatter [tilespmem:s23], [sflag:$0x5], $0x2000, $0x38;
	[tilespmem:$0x1E080] =	vst v63  }
0x3f: {  	s10 =	simm.s32 $0xC0  }
0x40: {  	[tilespmem:s28], [sflag:$0x4] =	stream.indirect.gather [spmem:s2], $0x80, s10, s22, $0xb8;
	[tilespmem:$0x1E080] =	vst v63  }
0x41: {  	_ =	swait.ge [sflag:s29], $0x2000  }
0x42: {  	[sflag:s29] =	ssyncset.done $0x0  }
0x43: {  	[sflag:s29] =	ssyncadd.s32 $0xFFFFE000  }
0x44: {  	_ =	swait.ge [sflag:s30], $0x2000  }
0x45: {  	[sflag:s30] =	ssyncset.done $0x0  }
0x46: {  	s11 =	rddreg [dreg:$0x9];
	[sflag:s30] =	ssyncadd.s32 $0xFFFFE000  }
0x47: {  	[hbm4b:s11+s3] =	stream.linear.scatter [tilespmem:s24], [sflag:$0x6], $0x2000, $0x38;
	[tilespmem:$0x1E080] =	vst v63  }
0x48: {  	s12 =	simm.s32 $0x100  }
0x49: {  	[tilespmem:s23], [sflag:$0x1] =	stream.indirect.gather [spmem:s2], $0x80, s12, s22, $0xb8;
	[tilespmem:$0x1E080] =	vst v63  }
0x4a: {  	_ =	swait.ge [sflag:s1], $0x2000  }
0x4b: {  	[sflag:s1] =	ssyncset.done $0x0  }
0x4c: {  	[sflag:s1] =	ssyncadd.s32 $0xFFFFE000  }
0x4d: {  	_ =	swait.ge [sflag:s0], $0x2000  }
0x4e: {  	[sflag:s0] =	ssyncset.done $0x0  }
0x4f: {  	s13 =	rddreg [dreg:$0xa];
	[sflag:s0] =	ssyncadd.s32 $0xFFFFE000  }
0x50: {  	[hbm4b:s13+s3] =	stream.linear.scatter [tilespmem:s25], [sflag:$0x7], $0x2000, $0x38;
	[tilespmem:$0x1E080] =	vst v63  }
0x51: {  	s14 =	simm.s32 $0x140  }
0x52: {  	[tilespmem:s24], [sflag:$0x2] =	stream.indirect.gather [spmem:s2], $0x80, s14, s22, $0xb8;
	[tilespmem:$0x1E080] =	vst v63  }
0x53: {  	_ =	swait.ge [sflag:s26], $0x2000  }
0x54: {  	[sflag:s26] =	ssyncset.done $0x0  }
0x55: {  	[sflag:s26] =	ssyncadd.s32 $0xFFFFE000  }
0x56: {  	_ =	swait.ge [sflag:s31], $0x2000  }
0x57: {  	s16 =	simm.s32 $0x180;
	[sflag:s31] =	ssyncset.done $0x0;
	s15 =	rddreg [dreg:$0xb]  }
0x58: {  	s8 =	simm.s32 $0x0;
	s13 =	rddreg [dreg:$0xd];
	[sflag:s31] =	ssyncadd.s32 $0xFFFFE000  }
0x59: {  	[hbm4b:s15+s3] =	stream.linear.scatter [tilespmem:s28], [sflag:$0x8], $0x2000, $0x38;
	[tilespmem:$0x1E080] =	vst v63  }
0x5a: {  	s14 =	smov.u32 s6;
	s12 =	rddreg [dreg:$0xc];
	s15 =	smov.u32 s5  }
0x5b: {  	[tilespmem:s25], [sflag:$0x3] =	stream.indirect.gather [spmem:s2], $0x80, s16, s22, $0xb8;
	[tilespmem:$0x1E080] =	vst v63  }
.LBB2_2:
0x5c: {  	_ =	swait.ge [sflag:s21], $0x2000  }
0x5d: {  	[sflag:s21] =	ssyncset.done $0x0  }
0x5e: {  	[sflag:s21] =	ssyncadd.s32 $0xFFFFE000  }
0x5f: {  	_ =	swait.ge [sflag:s17], $0x2000  }
0x60: {  	[sflag:s17] =	ssyncset.done $0x0  }
0x61: {  	s10 =	sshra.s32 s8, $0x2;
	[sflag:s17] =	ssyncadd.s32 $0xFFFFE000  }
0x62: {  	[hbm4b:s14+s3] =	stream.linear.scatter [tilespmem:s23], [sflag:$0x5], $0x2000, $0x38;
	[tilespmem:$0x1E080] =	vst v63  }
0x63: {  	s11 =	sadd.s32 $0x1C0, s10  }
0x64: {  	[tilespmem:s28], [sflag:$0x4] =	stream.indirect.gather [spmem:s2], $0x80, s11, s22, $0xb8;
	[tilespmem:$0x1E080] =	vst v63  }
0x65: {  	_ =	swait.ge [sflag:s29], $0x2000  }
0x66: {  	[sflag:s29] =	ssyncset.done $0x0  }
0x67: {  	[sflag:s29] =	ssyncadd.s32 $0xFFFFE000  }
0x68: {  	_ =	swait.ge [sflag:s30], $0x2000  }
0x69: {  	p1 =	seq.s32 s8, $0x9800;
	[sflag:s30] =	ssyncset.done $0x0  }
0x6a: {  	s11 =	sshra.s32 @!p1 s8, $0x2;
	[sflag:s30] =	ssyncadd.s32 $0xFFFFE000  }
0x6b: {  	[hbm4b:s13+s3] =	stream.linear.scatter [tilespmem:s24], [sflag:$0x6], $0x2000, $0x38;
	[tilespmem:$0x1E080] =	vst v63  }
0x6c: {  	s7 =	simm.s32 @!p1 $0x40;
	s16 =	simm.s32 @!p1 $0x2800;
	s9 =	sadd.s32 @!p1 $0x200, s11  }
0x6d: {  	[tilespmem:s16], [sflag:$0x1] =	stream.indirect.gather @!p1 [spmem:s2], $0x80, s9, s7, $0xb8;
	[tilespmem:$0x1E080] =	vst v63  }
0x6e: {  	_ =	swait.ge [sflag:s1], $0x2000  }
0x6f: {  	[sflag:s1] =	ssyncset.done $0x0  }
0x70: {  	[sflag:s1] =	ssyncadd.s32 $0xFFFFE000  }
0x71: {  	_ =	swait.ge [sflag:s0], $0x2000  }
0x72: {  	[sflag:s0] =	ssyncset.done $0x0  }
0x73: {  	[sflag:s0] =	ssyncadd.s32 $0xFFFFE000  }
0x74: {  	[hbm4b:s12+s3] =	stream.linear.scatter [tilespmem:s25], [sflag:$0x7], $0x2000, $0x38;
	[tilespmem:$0x1E080] =	vst v63  }
0x75: {  	s9 =	sadd.s32 @!p1 $0x240, s11;
	s11 =	simm.s32 @!p1 $0x4800  }
0x76: {  	[tilespmem:s11], [sflag:$0x2] =	stream.indirect.gather @!p1 [spmem:s2], $0x80, s9, s7, $0xb8;
	[tilespmem:$0x1E080] =	vst v63  }
0x77: {  	_ =	swait.ge [sflag:s26], $0x2000  }
0x78: {  	[sflag:s26] =	ssyncset.done $0x0  }
.Ltmp2:
0x79: {  	[sflag:s26] =	ssyncadd.s32 $0xFFFFE000;
	(pc) =	sbr.rel @p1 .LBB2_4-.Ltmp2, $4  }
0x7a: {  	_ =	swait.ge [sflag:s31], $0x2000  }
0x7b: {  	[sflag:s31] =	ssyncset.done $0x0  }
0x7c: {  	[sflag:s31] =	ssyncadd.s32 $0xFFFFE000  }
0x7d: {  	[hbm4b:s15+s3] =	stream.linear.scatter [tilespmem:s28], [sflag:$0x8], $0x2000, $0x38;
	[tilespmem:$0x1E080] =	vst v63  }
.Ltmp3:
0x7e: {  	(pc) =	sbr.rel .LBB2_2-.Ltmp3, $4  }
0x7f: {  	_ = 	snop  }
0x80: {  	s7 =	sadd.s32 $0x280, s10;
	s8 =	sadd.s32 $0x400, s8;
	s12 =	sadd.s32 $0x1000, s12  }
0x81: {  	s13 =	sadd.s32 $0x1000, s13;
	s14 =	sadd.s32 $0x1000, s14;
	s15 =	sadd.s32 $0x1000, s15  }
0x82: {  	[tilespmem:s25], [sflag:$0x3] =	stream.indirect.gather [spmem:s2], $0x80, s7, s22, $0xb8;
	[tilespmem:$0x1E080] =	vst v63  }
.LBB2_5:
0x83: {  	_ =	sfence.sel $0x180000  }
0x84: {  	[bflag:$0x0] =	sbarrier.arrive $0xFFFF  }
0x85: {  	_ =	strace $0x90000047  }
0x86: {  	s0 =	stileid.u32;
	[bflag:$0x2] =	sbarrier.arrive $0xFFFF  }
0x87: {  	p0 =	sne.s32 s0, $0x0;
	s0 =	rddreg [dreg:$0x3]  }
0x88: {  	s0 =	sadd.s32 @!p0 $0x100000, s0  }
0x89: {  	[sflag:s0] =	ssyncadd.tile.s32 @!p0 $0x1;
	_ =	shalt  }
.Lfunc_end2:
_tile_overlayer_lowered:
.L_overlay_start_2:
0x8a: {  	(tag) =	ssettag $0x2  }
0x8b: {  	s0 =	rddreg [dreg:$0x0];
	s2 =	stileid.u32  }
0x8c: {  	s1 =	rddreg [dreg:$0x1];
	p0 =	sne.s32 s2, $0x0  }
0x8d: {  	s3 =	rddreg [dreg:$0x2];
	[bflag:$0x3] =	sbarrier.arrive $0xFFFF;
	s2 =	simm.s32 @!p0 $0x1C09  }
0x8e: {  	[timem:s3], [sflag:s2] =	dma.local @!p0 [hbm:s0], s1  }
0x8f: {  	s0 =	simm.s32 @!p0 $0x9  }
0x90: {  	_ =	swait.ge @!p0 [sflag:s0], s1  }
0x91: {  	s1 =	ssub.s32 @!p0 $0x0, s1;
	[sflag:s0] =	ssyncset.done @!p0 $0x0  }
0x92: {  	[sflag:s0] =	ssyncadd.s32 @!p0 s1  }
0x93: {  	[bflag:$0x3] =	sbarrier.arrive $0xFFFF  }
0x94: {  	_ =	shalt  }

// kernel: kernel.8.cloned.1.call-start
scs
__scs_entry_jumppad:
0x0: {  	(pc) =	sbr.rel $0x88, $3  }
0x1: {  	(tag) =	ssettag $0x0;
	lr =	simm.s32 $0x1  }
0x2: {  	[smem:$0x3F9C] =	sst lr;
	_ =	strace $0xD0000000  }
0x3: {  	_ = 	snop  }
0x4: {  	_ = 	snop  }
0x5: {  	_ = 	snop  }
0x6: {  	_ = 	snop  }
0x7: {  	_ = 	snop  }
__scs_overlays_trampoline_lowered:
0x8: {  	[smem:$0x3FAB] =	sst s0  }
0x9: {  	[smem:$0x3FAC] =	sst s1  }
0xa: {  	[smem:$0x3FAD] =	sst s2  }
0xb: {  	[smem:$0x3FAE] =	sst s3  }
0xc: {  	[smem:$0x3FAF] =	sst s4  }
0xd: {  	[smem:$0x3FB0] =	sst s5  }
0xe: {  	[smem:$0x3FB1] =	sst s6  }
0xf: {  	[smem:$0x3FB2] =	sst s7  }
0x10: {  	[smem:$0x3FB3] =	sst s8  }
0x11: {  	[smem:$0x3FB4] =	sst s9;
	s0 =	simm.s32 @!p0 $0x0  }
0x12: {  	s1 =	sld [smem:$0x3F9A];
	s0 =	simm.s32 @p0 $0x1  }
0x13: {  	[smem:$0x3FB5] =	sst s0;
	s0 =	simm.s32 @!p1 $0x0  }
0x14: {  	s2 =	sld [smem:$0x3F99];
	s0 =	simm.s32 @p1 $0x1  }
0x15: {  	[smem:$0x3FB6] =	sst s0;
	s0 =	simm.s32 @!p2 $0x0  }
0x16: {  	s3 =	sld [smem:$0x3FDB];
	s0 =	simm.s32 @p2 $0x1  }
0x17: {  	s4 =	simm.s32 $0x1BF5;
	[smem:$0x3FB8] =	sst s0  }
0x18: {  	s0 =	sld [smem:$0x3F9B];
	_ =	swait.ge [sflag:s4], $0x0  }
0x19: {  	s7 =	sld [smem:$0x3F9C]  }
0x1a: {  	s8 =	sadd.s32 $0xFFFFE003, lr  }
0x1b: {  	s9 =	sadd.s32 $0xFFFFFEF7, lr;
	s5 =	simm.s32 $0xFFFFFFFF;
	p2 =	slt.u32 s8, $0xFFFFF086  }
0x1c: {  	p1 =	slt.u32 s9, $0xF7A;
	s5 =	simm.s32 @!p2 $0x0  }
0x1d: {  	s5 =	simm.s32 @p1 $0x1;
	p0 =	seq.s32 s7, s2  }
0x1e: {  	s7 =	smul.u32 @!p0 $0xF7A, s2;
	p2 =	seq.s32 @!p0 s5, $0x0  }
0x1f: {  	s9 =	smul.u32 $0xF7A, s1;
	s8 =	simm.s32 @!p0 $0x1BF5;
	p2 =	por !p2, p0  }
0x20: {  	[sflag:s8] =	ssyncset.s32 @!p0 $0xFFFFF086;
	s6 =	sadd.s32 @!p0 s3, s7;
	s7 =	simm.s32 @!p0 $0x108  }
0x21: {  	s3 =	sadd.s32 s3, s9;
	s6 =	sadd.s32 @!p0 $0x88, s6;
	s7 =	simm.s32 @p2 $0x1082  }
0x22: {  	[simem:s7], [sflag:s8] =	dma.local @!p0 [hbm:s6], $0xF7A  }
0x23: {  	s9 =	sor.u32 $0xD0000000, s2;
	s6 =	simm.s32 $0x108;
	_ =	swait.ge @!p0 [sflag:s8], $0x0  }
0x24: {  	s3 =	sadd.s32 $0x88, s3;
	s6 =	simm.s32 @!p1 $0x1082;
	[sflag:s4] =	ssyncset.s32 $0xFFFFF086  }
0x25: {  	[simem:s6], [sflag:s4] =	dma.local [hbm:s3], $0xF7A  }
0x26: {  	[smem:$0x3F9C] =	sst s1;
	(tag) =	ssettag s2;
	_ =	strace s9  }
0x27: {  	s1 =	sld [smem:$0x3FAC]  }
0x28: {  	s2 =	sld [smem:$0x3FAD]  }
0x29: {  	s4 =	sld [smem:$0x3FAF]  }
0x2a: {  	p0 =	seq.s32 s5, $0x0;
	s5 =	sld [smem:$0x3FB0]  }
0x2b: {  	s6 =	sld [smem:$0x3FB1]  }
0x2c: {  	s7 =	sld [smem:$0x3FB2]  }
0x2d: {  	s3 =	simm.s32 $0x108;
	s8 =	sld [smem:$0x3FB3]  }
0x2e: {  	s3 =	simm.s32 @!p0 $0x1082;
	s9 =	sld [smem:$0x3FB4]  }
0x2f: {  	lr =	sadd.s32 s0, s3;
	s0 =	sld [smem:$0x3FAB]  }
0x30: {  	s3 =	sld [smem:$0x3FAE]  }
0x31: {  	[smem:$0x3FB7] =	sst s10  }
0x32: {  	s10 =	sld [smem:$0x3FB5];
	_ =	sdelay $0x3  }
0x33: {  	p0 =	seq.s32 s10, $0x1;
	s10 =	sld [smem:$0x3FB7];
	_ =	sdelay $0x3  }
0x34: {  	[smem:$0x3FB7] =	sst s10  }
0x35: {  	s10 =	sld [smem:$0x3FB6];
	_ =	sdelay $0x3  }
0x36: {  	p1 =	seq.s32 s10, $0x1;
	s10 =	sld [smem:$0x3FB7];
	_ =	sdelay $0x3  }
0x37: {  	[smem:$0x3FB7] =	sst s10  }
0x38: {  	s10 =	sld [smem:$0x3FB8]  }
0x39: {  	_ = 	snop;
	(pc) =	sbr.ind lr, $3  }
0x3a: {  	_ = 	snop  }
0x3b: {  	_ = 	snop  }
0x3c: {  	p2 =	seq.s32 s10, $0x1;
	s10 =	sld [smem:$0x3FB7]  }
0x3d: {  	_ =	shalt  }
0x3e: {  	_ =	shalt  }
0x3f: {  	_ =	shalt  }
0x40: {  	_ =	shalt  }
0x41: {  	_ =	shalt  }
0x42: {  	_ =	shalt  }
0x43: {  	_ =	shalt  }
0x44: {  	_ =	shalt  }
0x45: {  	_ =	shalt  }
0x46: {  	_ =	shalt  }
0x47: {  	_ =	shalt  }
0x48: {  	_ =	shalt  }
0x49: {  	_ =	shalt  }
0x4a: {  	_ =	shalt  }
0x4b: {  	_ =	shalt  }
0x4c: {  	_ =	shalt  }
0x4d: {  	_ =	shalt  }
0x4e: {  	_ =	shalt  }
0x4f: {  	_ =	shalt  }
0x50: {  	_ =	shalt  }
0x51: {  	_ =	shalt  }
0x52: {  	_ =	shalt  }
0x53: {  	_ =	shalt  }
0x54: {  	_ =	shalt  }
0x55: {  	_ =	shalt  }
0x56: {  	_ =	shalt  }
0x57: {  	_ =	shalt  }
0x58: {  	_ =	shalt  }
0x59: {  	_ =	shalt  }
0x5a: {  	_ =	shalt  }
0x5b: {  	_ =	shalt  }
0x5c: {  	_ =	shalt  }
0x5d: {  	_ =	shalt  }
0x5e: {  	_ =	shalt  }
0x5f: {  	_ =	shalt  }
0x60: {  	_ =	shalt  }
0x61: {  	_ =	shalt  }
0x62: {  	_ =	shalt  }
0x63: {  	_ =	shalt  }
0x64: {  	_ =	shalt  }
0x65: {  	_ =	shalt  }
0x66: {  	_ =	shalt  }
0x67: {  	_ =	shalt  }
0x68: {  	_ =	shalt  }
0x69: {  	_ =	shalt  }
0x6a: {  	_ =	shalt  }
0x6b: {  	_ =	shalt  }
0x6c: {  	_ =	shalt  }
0x6d: {  	_ =	shalt  }
0x6e: {  	_ =	shalt  }
0x6f: {  	_ =	shalt  }
0x70: {  	_ =	shalt  }
0x71: {  	_ =	shalt  }
0x72: {  	_ =	shalt  }
0x73: {  	_ =	shalt  }
0x74: {  	_ =	shalt  }
0x75: {  	_ =	shalt  }
0x76: {  	_ =	shalt  }
0x77: {  	_ =	shalt  }
0x78: {  	_ =	shalt  }
0x79: {  	_ =	shalt  }
0x7a: {  	_ =	shalt  }
0x7b: {  	_ =	shalt  }
0x7c: {  	_ =	shalt  }
0x7d: {  	_ =	shalt  }
0x7e: {  	_ =	shalt  }
0x7f: {  	_ =	shalt  }
0x80: {  	_ =	shalt  }
0x81: {  	_ =	shalt  }
0x82: {  	_ =	shalt  }
0x83: {  	_ =	shalt  }
0x84: {  	_ =	shalt  }
0x85: {  	_ =	shalt  }
0x86: {  	_ =	shalt  }
0x87: {  	_ =	shalt  }
.Lfunc_end0:
.L_simem_size_0:
called_computation.1_lowered:
.L_overlay_start_0:
0x88: {  	s2 =	sld [smem:$0x3FD9]  }
0x89: {  	s3 =	sld [smem:$0x3FFE];
	_ =	sdelay $0x1  }
0x8a: {  	s1 =	srdreg.scid  }
0x8b: {  	s0 =	sand.u32 $0x1, s1  }
0x8c: {  	s17 =	sshll.u32 s0, $0xA;
	s2 =	sadd.s32 s3, s2  }
0x8d: {  	s2 =	sadd.s32 s2, s17  }
0x8e: {  	[smem:$0x3FC3] =	sst s2  }
0x8f: {  	_ = 	snop  }
0x90: {  	s2 =	sld [smem:$0x3FD0];
	(tm) =	ssettm $0x1  }
0x91: {  	s18 =	sld [smem:$0x3FFB];
	_ =	sdelay $0x3  }
0x92: {  	_ =	strace s18  }
0x93: {  	s3 =	sld [smem:$0x3FFC];
	_ =	sdelay $0x3  }
0x94: {  	_ =	strace s3  }
0x95: {  	s3 =	sld [smem:$0x3FFD];
	_ =	sdelay $0x3  }
0x96: {  	_ =	strace s3  }
0x97: {  	_ =	strace $0x8FFFFFFF  }
0x98: {  	s19 =	sld [smem:$0x3FDB];
	_ =	sdelay $0x1  }
0x99: {  	s4 =	simm.s32 $_scs_section_size  }
0x9a: {  	s5 =	simm.s32 $_size__tile_overlayer_lowered;
	s6 =	simm.s32 $_tile_overlayer_lowered  }
0x9b: {  	s22 =	simm.s32 $0x1BFF;
	s21 =	sshll.u32 s6, $0x1;
	s3 =	sadd.s32 s4, s19  }
0x9c: {  	s7 =	simm.s32 $0x0;
	s20 =	sshll.u32 s5, $0x1;
	s5 =	sadd.s32 s21, s3  }
0x9d: {  	[timem:s7], [sflag:s22] =	dma.local [hbm:s5], s20  }
0x9e: {  	_ =	swait.ge [sflag:s22], s20  }
0x9f: {  	s4 =	ssub.s32 $0x0, s20;
	[sflag:s22] =	ssyncset.done $0x0  }
0xa0: {  	[sflag:s22] =	ssyncadd.s32 s4;
	_ =	sdelay $0x1  }
0xa1: {  	s23 =	simm.s32 $0x1B8B  }
0xa2: {  	_ =	swait.ge [sflag:s23], $0x1  }
0xa3: {  	[sflag:s23] =	ssyncset.done $0x0  }
0xa4: {  	s25 =	simm.s32 $0x1B8E;
	s24 =	sld [smem:$0x3FFE];
	[sflag:s23] =	ssyncadd.s32 $0xFFFFFFFF  }
0xa5: {  	s26 =	simm.s32 $execute0_lowered;
	[smem:$0x3FD2] =	sst s25  }
0xa6: {  	s5 =	sshll.u32 s26, $0x1;
	_ =	strace $0x80000049;
	[dreg:$0x1] =	wrdreg $0xFFFFFFFF  }
0xa7: {  	s28 =	simm.s32 $_size_execute0_lowered;
	s3 =	sadd.s32 s3, s5;
	[dreg:$0x0] =	wrdreg $0x0  }
0xa8: {  	s5 =	sshll.u32 s28, $0x1;
	[dreg:$0x2] =	wrdreg s3  }
0xa9: {  	[dreg:$0x3] =	wrdreg s5  }
0xaa: {  	[dreg:$0x4] =	wrdreg $0xC0  }
0xab: {  	_ =	task [dreg:s7], $0x5FFFF  }
0xac: {  	[dreg:$0x1] =	wrdreg $0xFFFFFFFF  }
0xad: {  	[dreg:$0x0] =	wrdreg $0x60  }
0xae: {  	[dreg:$0x2] =	wrdreg s2  }
0xaf: {  	[dreg:$0x3] =	wrdreg s24  }
0xb0: {  	[dreg:$0x4] =	wrdreg $0xA8000  }
0xb1: {  	[dreg:$0x5] =	wrdreg $0x9  }
0xb2: {  	_ =	task.clear_ibuf [dreg:s7], $0x6FFFF;
	_ =	strace $0x90000049  }
0xb3: {  	s29 =	simm.s32 $0x9;
	_ =	strace $0x8000004B  }
0xb4: {  	_ =	swait.ge [sflag:s29], $0x1  }
0xb5: {  	[sflag:s29] =	ssyncadd.s32 $0xFFFFFFFF  }
0xb6: {  	_ =	strace $0x9000004B  }
0xb7: {  	_ =	sfence  }
0xb8: {  	s30 =	sld [smem:$0x0];
	_ =	sdelay $0x2  }
0xb9: {  	s31 =	sshll.u32 s1, $0xD;
	s1 =	sshrl.u32 s1, $0x2  }
0xba: {  	s3 =	sand.u32 $0x4000, s31;
	s1 =	sadd.s32 s1, s30  }
0xbb: {  	s0 =	sor.u32 s3, s0;
	s1 =	sshll.u32 s1, $0x11  }
0xbc: {  	s0 =	sor.u32 s1, s0  }
0xbd: {  	s0 =	sadd.s32 $0x8F2B, s0  }
0xbe: {  	[sflag:s0] =	ssyncadd.remote.s32 $0x1  }
0xbf: {  	_ =	sfence.sel $0xFFFF  }
0xc0: {  	[dreg:$0x0] =	wrdreg $0xFFFFFFFF;
	(pc) =	sbr.abs _section_cstart, $3  }
0xc1: {  	[dreg:$0x1] =	wrdreg $0xFFFFFFFF  }
0xc2: {  	_ =	task.clear_ibuf [dreg:s7], $0x2FFFF;
	_ =	strace $0x9FFFFFFF  }
0xc3: {  	(tm) =	ssettm $0x7FFFFFFF  }
tec
execute0_lowered:
.L_overlay_start_1:
0x0: {  	(tag) =	ssettag $0x1  }
0x1: {  	s0 =	rddreg [dreg:$0x0]  }
0x2: {  	s2 =	rddreg [dreg:$0x1]  }
0x3: {  	s1 =	rddreg [dreg:$0x2]  }
0x4: {  	s3 =	srdreg.scid;
	s12 =	stileid.u32;
	s28 =	simm.s32 $0x9  }
0x5: {  	s29 =	simm.s32 $0x1;
	s30 =	simm.s32 $0x4800;
	s6 =	smul.u32 $0x13C00, s12  }
0x6: {  	s31 =	simm.s32 $0x6800;
	s4 =	sand.u32 $0x1, s3;
	s11 =	smul.u32 $0x4F000, s12  }
0x7: {  	s3 =	simm.s32 $0x0;
	s8 =	sadd.s32 $0xAC00, s2;
	s19 =	smul.u32 $0x140000, s12  }
0x8: {  	s9 =	sshll.u32 s12, $0x7;
	s5 =	smul.u32 $0x13C000, s4;
	[smem:$0x7FF] =	sst s3  }
0x9: {  	s7 =	sshll.u32 s4, $0x4;
	s10 =	ssub.s32 $0x2, s4;
	s9 =	sand.u32 $0x380, s9  }
0xa: {  	s4 =	smul.u32 $0x1400000, s4;
	_ =	strace $0x8000004A;
	s7 =	sor.u32 s12, s7  }
0xb: {  	s26 =	sshrl.u32 s10, $0x1;
	s14 =	sshrl.u32 s11, $0x2;
	s5 =	sadd.s32 s6, s5  }
0xc: {  	s25 =	sshrl.u32 s7, $0x3;
	s10 =	ssub.s32 s10, s26;
	s15 =	smul.u32 $0x140000, s7  }
0xd: {  	s4 =	sadd.s32 s19, s4;
	s7 =	simm.s32 $0x8;
	s5 =	sshrl.u32 s5, $0x3  }
0xe: {  	s6 =	smul.u32 $0x14000, s25;
	s2 =	sadd.s32 s5, s2;
	s5 =	sadd.s32 s14, s1  }
0xf: {  	s24 =	sor.u32 $0xC000, s4;
	s19 =	smax.u32 s10, $0x1;
	s16 =	sadd.s32 $0x4000, s5  }
0x10: {  	s25 =	sor.u32 $0xA000, s4;
	s17 =	sadd.s32 $0x6000, s5;
	[dreg:$0x6] =	wrdreg s16  }
0x11: {  	s26 =	sor.u32 $0x8000, s4;
	s18 =	sadd.s32 $0x8000, s5;
	[dreg:$0x7] =	wrdreg s17  }
0x12: {  	s4 =	sor.u32 $0x6000, s4;
	s20 =	sadd.s32 $0xA000, s5;
	[dreg:$0x8] =	wrdreg s18  }
0x13: {  	s4 =	sshrl.u32 s4, $0x3;
	s21 =	sadd.s32 $0xC000, s5;
	[dreg:$0x9] =	wrdreg s20  }
0x14: {  	s6 =	sor.u32 s9, s6;
	s22 =	sadd.s32 $0xE000, s5;
	[dreg:$0xa] =	wrdreg s21  }
0x15: {  	s23 =	sadd.s32 $0x10000, s5;
	s14 =	sadd.s32 $0x12000, s5;
	[dreg:$0xb] =	wrdreg s22  }
0x16: {  	s13 =	sshrl.u32 s6, $0x3;
	s6 =	sadd.s32 $0x2000, s5;
	[dreg:$0xc] =	wrdreg s23  }
0x17: {  	s18 =	sadd.s32 $0x50AC00, s2;
	s2 =	sshrl.u32 s26, $0x3;
	s23 =	sadd.s32 s4, s8  }
0x18: {  	s26 =	simm.s32 $0x2800;
	s4 =	simm.s32 $0x4;
	s0 =	sadd.s32 s0, s13  }
0x19: {  	[dreg:$0x5] =	wrdreg s6;
	s22 =	sadd.s32 s2, s8;
	s2 =	simm.s32 $0x8800  }
.Ltmp0:
0x1a: {  	[dreg:$0x4] =	wrdreg s0;
	s0 =	sshrl.u32 s15, $0x3;
	(pc) =	sbr.rel .LBB2_1-.Ltmp0, $4  }
0x1b: {  	s6 =	simm.s32 $0x7;
	s15 =	sadd.s32 s8, s0;
	s0 =	sshrl.u32 s24, $0x3  }
0x1c: {  	s24 =	simm.s32 $0x2;
	s16 =	sadd.s32 $0x400, s15;
	s17 =	sadd.s32 $0x800, s15  }
0x1d: {  	s20 =	sadd.s32 s0, s8;
	s0 =	sshrl.u32 s25, $0x3;
	s25 =	simm.s32 $0x5  }
0x1e: {  	v0 =	vimm.f32 $0.0e+00;
	s21 =	sadd.s32 s0, s8;
	s0 =	simm.s32 $0x40;
	s8 =	simm.s32 $0x0  }
.LBB2_6:
0x1f: {  	_ =	swait.ge [sflag:s7], $0x2000;
	s9 =	stileid.u32  }
0x20: {  	s10 =	sshrl.u32 s5, $0x3;
	s8 =	sadd.s32 $0x1, s8;
	[sflag:s7] =	ssyncset.done $0x0  }
0x21: {  	s9 =	sshll.u32 s9, $0x6;
	p0 =	sne.s32 s8, s19;
	[sflag:s7] =	ssyncadd.s32 $0xFFFFE000  }
.Ltmp1:
0x22: {  	s9 =	sor.u32 $0x1C09, s9;
	[bflag:$0x0] =	sbarrier.arrive $0xFFFF;
	(pc) =	sbr.rel @!p0 .LBB2_7-.Ltmp1, $4  }
0x23: {  	[hbm:s18], [sflag:s9] =	dma.local [spmem:s10], $0x2780  }
0x24: {  	_ =	swait.ge [sflag:s28], $0x2780  }
0x25: {  	[sflag:s28] =	ssyncset.done $0x0  }
0x26: {  	[sflag:s28] =	ssyncadd.s32 $0xFFFFD880  }
.LBB2_1:
0x27: {  	s9 =	rddreg [dreg:$0x4];
	s10 =	simm.s32 $0x80;
	s11 =	simm.s32 $0x400  }
0x28: {  	[tilespmem:s3], [sflag:$0x1] =	stream.strided.gather [hbm4b:s9+s10], $0x2800, s11, s10, $0x38;
	[tilespmem:$0x1E400] =	vst v63  }
0x29: {  	s9 =	simm.s32 $0x0;
	s10 =	simm.s32 $0x200  }
.LBB2_2:
0x2a: {  	p0 =	sne.s32 s10, $0x7E00;
	[tilespmem:s9+$0x2870] =	vst v0  }
0x2b: {  	[tilespmem:s9+$0x2800] =	vst v0  }
0x2c: {  	[tilespmem:s9+$0x2810] =	vst v0  }
.Ltmp2:
0x2d: {  	[tilespmem:s9+$0x2820] =	vst v0;
	(pc) =	sbr.rel @p0 .LBB2_2-.Ltmp2, $4  }
0x2e: {  	[tilespmem:s9+$0x2830] =	vst v0  }
0x2f: {  	[tilespmem:s9+$0x2840] =	vst v0  }
0x30: {  	[tilespmem:s9+$0x2850] =	vst v0  }
0x31: {  	[tilespmem:s9+$0x2860] =	vst v0;
	s9 =	sshra.s32 s10, $0x2;
	s10 =	sadd.s32 $0x200, s10  }
0x32: {  	[tilespmem:s9+$0x2870] =	vst v0  }
0x33: {  	[tilespmem:s9+$0x2800] =	vst v0  }
0x34: {  	[tilespmem:s9+$0x2810] =	vst v0  }
0x35: {  	[tilespmem:s9+$0x2820] =	vst v0  }
0x36: {  	[tilespmem:s9+$0x2830] =	vst v0  }
0x37: {  	[tilespmem:s9+$0x2840] =	vst v0  }
0x38: {  	[tilespmem:s9+$0x2850] =	vst v0  }
0x39: {  	[tilespmem:s9+$0x2860] =	vst v0  }
0x3a: {  	[spmem:s5] =	stream.linear.scatter [tilespmem:s26], [sflag:$0x9], $0x2000, $0x38;
	[tilespmem:$0x1E400] =	vst v63  }
0x3b: {  	_ =	swait.ge [sflag:s28], $0x2000  }
0x3c: {  	[sflag:s28] =	ssyncset.done $0x0  }
0x3d: {  	s10 =	rddreg [dreg:$0x5];
	[sflag:s28] =	ssyncadd.s32 $0xFFFFE000  }
0x3e: {  	[spmem:s10] =	stream.linear.scatter [tilespmem:s26], [sflag:$0x9], $0x2000, $0x38;
	[tilespmem:$0x1E400] =	vst v63  }
0x3f: {  	_ =	swait.ge [sflag:s28], $0x2000  }
0x40: {  	[sflag:s28] =	ssyncset.done $0x0  }
0x41: {  	s11 =	rddreg [dreg:$0x6];
	[sflag:s28] =	ssyncadd.s32 $0xFFFFE000  }
0x42: {  	[spmem:s11] =	stream.linear.scatter [tilespmem:s26], [sflag:$0x9], $0x2000, $0x38;
	[tilespmem:$0x1E400] =	vst v63  }
0x43: {  	_ =	swait.ge [sflag:s28], $0x2000  }
0x44: {  	[sflag:s28] =	ssyncset.done $0x0  }
0x45: {  	s12 =	rddreg [dreg:$0x7];
	[sflag:s28] =	ssyncadd.s32 $0xFFFFE000  }
0x46: {  	[spmem:s12] =	stream.linear.scatter [tilespmem:s26], [sflag:$0x9], $0x2000, $0x38;
	[tilespmem:$0x1E400] =	vst v63  }
0x47: {  	_ =	swait.ge [sflag:s28], $0x2000  }
0x48: {  	[sflag:s28] =	ssyncset.done $0x0  }
0x49: {  	s13 =	rddreg [dreg:$0x8];
	[sflag:s28] =	ssyncadd.s32 $0xFFFFE000  }
0x4a: {  	[spmem:s13] =	stream.linear.scatter [tilespmem:s26], [sflag:$0x9], $0x2000, $0x38;
	[tilespmem:$0x1E400] =	vst v63  }
0x4b: {  	_ =	swait.ge [sflag:s28], $0x2000  }
0x4c: {  	[sflag:s28] =	ssyncset.done $0x0  }
0x4d: {  	s10 =	rddreg [dreg:$0x9];
	[sflag:s28] =	ssyncadd.s32 $0xFFFFE000  }
0x4e: {  	[spmem:s10] =	stream.linear.scatter [tilespmem:s26], [sflag:$0x9], $0x2000, $0x38;
	[tilespmem:$0x1E400] =	vst v63  }
0x4f: {  	_ =	swait.ge [sflag:s28], $0x2000  }
0x50: {  	[sflag:s28] =	ssyncset.done $0x0  }
0x51: {  	s11 =	rddreg [dreg:$0xa];
	[sflag:s28] =	ssyncadd.s32 $0xFFFFE000  }
0x52: {  	[spmem:s11] =	stream.linear.scatter [tilespmem:s26], [sflag:$0x9], $0x2000, $0x38;
	[tilespmem:$0x1E400] =	vst v63  }
0x53: {  	_ =	swait.ge [sflag:s28], $0x2000  }
0x54: {  	[sflag:s28] =	ssyncset.done $0x0  }
0x55: {  	s12 =	rddreg [dreg:$0xb];
	[sflag:s28] =	ssyncadd.s32 $0xFFFFE000  }
0x56: {  	[spmem:s12] =	stream.linear.scatter [tilespmem:s26], [sflag:$0x9], $0x2000, $0x38;
	[tilespmem:$0x1E400] =	vst v63  }
0x57: {  	_ =	swait.ge [sflag:s28], $0x2000  }
0x58: {  	[sflag:s28] =	ssyncset.done $0x0  }
0x59: {  	s13 =	rddreg [dreg:$0xc];
	[sflag:s28] =	ssyncadd.s32 $0xFFFFE000  }
0x5a: {  	[spmem:s13] =	stream.linear.scatter [tilespmem:s26], [sflag:$0x9], $0x2000, $0x38;
	[tilespmem:$0x1E400] =	vst v63  }
0x5b: {  	_ =	swait.ge [sflag:s28], $0x2000  }
0x5c: {  	[sflag:s28] =	ssyncset.done $0x0  }
0x5d: {  	[sflag:s28] =	ssyncadd.s32 $0xFFFFE000  }
0x5e: {  	[spmem:s14] =	stream.linear.scatter [tilespmem:s26], [sflag:$0x9], $0x1C00, $0x38;
	[tilespmem:$0x1E400] =	vst v63  }
0x5f: {  	_ =	swait.ge [sflag:s28], $0x1C00  }
0x60: {  	[sflag:s28] =	ssyncset.done $0x0  }
0x61: {  	[sflag:s28] =	ssyncadd.s32 $0xFFFFE400  }
0x62: {  	_ =	swait.ge [sflag:s29], $0x2800  }
0x63: {  	[sflag:s29] =	ssyncset.done $0x0  }
0x64: {  	[sflag:s29] =	ssyncadd.s32 $0xFFFFD800  }
0x65: {  	s9 =	simm.s32 $0x0;
	[bflag:$0x0] =	sbarrier.arrive $0xFFFF  }
0x66: {  	[tilespmem:s26], [sflag:$0x1] =	stream.linear.gather [hbm4b:s15+s9], $0x2000, $0x38;
	[tilespmem:$0x1E400] =	vst v63  }
0x67: {  	_ = 	snop  }
0x68: {  	[tilespmem:s30], [sflag:$0x2] =	stream.linear.gather [hbm4b:s16+s9], $0x2000, $0x38;
	[tilespmem:$0x1E400] =	vst v63  }
0x69: {  	s10 =	simm.s32 $0x80  }
0x6a: {  	[tilespmem:s31], [sflag:$0x3] =	stream.linear.gather [hbm4b:s17+s9], $0x2000, $0x38;
	[tilespmem:$0x1E400] =	vst v63  }
.LBB2_4:
0x6b: {  	_ =	swait.ge [sflag:s29], $0x2000  }
0x6c: {  	p0 =	seq.s32 s9, $0x0;
	[sflag:s29] =	ssyncset.done $0x0  }
0x6d: {  	s11 =	simm.s32 @!p0 $0x8;
	[sflag:s29] =	ssyncadd.s32 $0xFFFFE000  }
0x6e: {  	_ =	swait.ge @!p0 [sflag:s11], $0x2000  }
0x6f: {  	[sflag:s11] =	ssyncset.done @!p0 $0x0  }
0x70: {  	s12 =	sadd.s32 $0xFFFFFF80, s10;
	[sflag:s11] =	ssyncadd.s32 @!p0 $0xFFFFE000  }
0x71: {  	[spmem:s1] =	stream.indirect.scatter.add.f32 [tilespmem:s26], [sflag:$0x5], $0x80, s12, s0, $0xb8;
	[tilespmem:$0x1E400] =	vst v63  }
0x72: {  	s13 =	sadd.s32 s9, s23  }
0x73: {  	[tilespmem:s2], [sflag:$0x4] =	stream.linear.gather [hbm4b:s13+s3], $0x2000, $0x38;
	[tilespmem:$0x1E400] =	vst v63  }
0x74: {  	_ =	swait.ge [sflag:s24], $0x2000  }
0x75: {  	[sflag:s24] =	ssyncset.done $0x0  }
0x76: {  	[sflag:s24] =	ssyncadd.s32 $0xFFFFE000  }
0x77: {  	_ =	swait.ge [sflag:s25], $0x2000  }
0x78: {  	p0 =	seq.s32 s9, $0x27000;
	[sflag:s25] =	ssyncset.done $0x0  }
0x79: {  	s12 =	sadd.s32 $0xFFFFFFC0, s10;
	s11 =	simm.s32 @p0 $0x3;
	[sflag:s25] =	ssyncadd.s32 $0xFFFFE000  }
0x7a: {  	[spmem:s1] =	stream.indirect.scatter.add.f32 [tilespmem:s30], [sflag:$0x6], $0x80, s12, s0, $0xb8;
	[tilespmem:$0x1E400] =	vst v63  }
0x7b: {  	_ =	swait.ge @p0 [sflag:s11], $0x2000  }
0x7c: {  	[sflag:s11] =	ssyncset.done @p0 $0x0  }
0x7d: {  	[sflag:s11] =	ssyncadd.s32 @p0 $0xFFFFE000;
	s11 =	simm.s32 @p0 $0x6  }
0x7e: {  	_ =	swait.ge @p0 [sflag:s11], $0x2000  }
0x7f: {  	[sflag:s11] =	ssyncset.done @p0 $0x0  }
0x80: {  	s12 =	simm.s32 @p0 $0x6800;
	[sflag:s11] =	ssyncadd.s32 @p0 $0xFFFFE000;
	s11 =	simm.s32 @p0 $0x40  }
0x81: {  	[spmem:s1] =	stream.indirect.scatter.add.f32 @p0 [tilespmem:s12], [sflag:$0x7], $0x80, s10, s11, $0xb8;
	[tilespmem:$0x1E400] =	vst v63  }
0x82: {  	s13 =	simm.s32 @!p0 $0x2800;
	s11 =	sadd.s32 @!p0 s9, s22;
	s12 =	simm.s32 @!p0 $0x0  }
0x83: {  	[tilespmem:s13], [sflag:$0x1] =	stream.linear.gather @!p0 [hbm4b:s11+s12], $0x2000, $0x38;
	[tilespmem:$0x1E400] =	vst v63  }
0x84: {  	s11 =	simm.s32 @!p0 $0x3  }
0x85: {  	_ =	swait.ge @!p0 [sflag:s11], $0x2000  }
0x86: {  	[sflag:s11] =	ssyncset.done @!p0 $0x0  }
0x87: {  	[sflag:s11] =	ssyncadd.s32 @!p0 $0xFFFFE000;
	s11 =	simm.s32 @!p0 $0x6  }
0x88: {  	_ =	swait.ge @!p0 [sflag:s11], $0x2000  }
0x89: {  	[sflag:s11] =	ssyncset.done @!p0 $0x0  }
0x8a: {  	s13 =	simm.s32 @!p0 $0x6800;
	[sflag:s11] =	ssyncadd.s32 @!p0 $0xFFFFE000;
	s11 =	simm.s32 @!p0 $0x40  }
0x8b: {  	[spmem:s1] =	stream.indirect.scatter.add.f32 @!p0 [tilespmem:s13], [sflag:$0x7], $0x80, s10, s11, $0xb8;
	[tilespmem:$0x1E400] =	vst v63  }
0x8c: {  	s11 =	sadd.s32 @!p0 s9, s21;
	s13 =	simm.s32 @!p0 $0x4800  }
0x8d: {  	[tilespmem:s13], [sflag:$0x2] =	stream.linear.gather @!p0 [hbm4b:s11+s12], $0x2000, $0x38;
	[tilespmem:$0x1E400] =	vst v63  }
0x8e: {  	_ =	swait.ge [sflag:s4], $0x2000  }
0x8f: {  	[sflag:s4] =	ssyncset.done $0x0  }
.Ltmp3:
0x90: {  	[sflag:s4] =	ssyncadd.s32 $0xFFFFE000;
	(pc) =	sbr.rel @p0 .LBB2_6-.Ltmp3, $4  }
0x91: {  	_ =	swait.ge [sflag:s6], $0x2000  }
0x92: {  	[sflag:s6] =	ssyncset.done $0x0  }
0x93: {  	s13 =	sadd.s32 $0x40, s10;
	[sflag:s6] =	ssyncadd.s32 $0xFFFFE000  }
0x94: {  	[spmem:s1] =	stream.indirect.scatter.add.f32 [tilespmem:s2], [sflag:$0x8], $0x80, s13, s0, $0xb8;
	[tilespmem:$0x1E400] =	vst v63  }
.Ltmp4:
0x95: {  	(pc) =	sbr.rel .LBB2_4-.Ltmp4, $3  }
0x96: {  	_ =	sdelay $0x1  }
0x97: {  	s11 =	sadd.s32 s9, s20;
	s9 =	sadd.s32 $0x1000, s9;
	s10 =	sadd.s32 $0x100, s10  }
0x98: {  	[tilespmem:s31], [sflag:$0x3] =	stream.linear.gather [hbm4b:s11+s3], $0x2000, $0x38;
	[tilespmem:$0x1E400] =	vst v63  }
.LBB2_7:
0x99: {  	_ =	sfence.sel $0x180000  }
0x9a: {  	[bflag:$0x0] =	sbarrier.arrive $0xFFFF  }
0x9b: {  	_ =	strace $0x9000004A  }
0x9c: {  	s0 =	stileid.u32;
	[bflag:$0x2] =	sbarrier.arrive $0xFFFF  }
0x9d: {  	p0 =	sne.s32 s0, $0x0;
	s0 =	rddreg [dreg:$0x3]  }
0x9e: {  	s0 =	sadd.s32 @!p0 $0x100000, s0  }
0x9f: {  	[sflag:s0] =	ssyncadd.tile.s32 @!p0 $0x1;
	_ =	shalt  }
.Lfunc_end2:
_tile_overlayer_lowered:
.L_overlay_start_2:
0xa0: {  	(tag) =	ssettag $0x2  }
0xa1: {  	s0 =	rddreg [dreg:$0x0];
	s2 =	stileid.u32  }
0xa2: {  	s1 =	rddreg [dreg:$0x1];
	p0 =	sne.s32 s2, $0x0  }
0xa3: {  	s3 =	rddreg [dreg:$0x2];
	[bflag:$0x3] =	sbarrier.arrive $0xFFFF;
	s2 =	simm.s32 @!p0 $0x1C09  }
0xa4: {  	[timem:s3], [sflag:s2] =	dma.local @!p0 [hbm:s0], s1  }
0xa5: {  	s0 =	simm.s32 @!p0 $0x9  }
0xa6: {  	_ =	swait.ge @!p0 [sflag:s0], s1  }
0xa7: {  	s1 =	ssub.s32 @!p0 $0x0, s1;
	[sflag:s0] =	ssyncset.done @!p0 $0x0  }
0xa8: {  	[sflag:s0] =	ssyncadd.s32 @!p0 s1  }
0xa9: {  	[bflag:$0x3] =	sbarrier.arrive $0xFFFF  }
0xaa: {  	_ =	shalt  }

</sc_bundles>
